<compile_context>
chip_gen: v7x
topology: tpu7x:2x2x1
jax: 0.10.2.dev20260603
libtpu: 0.0.44.dev20260713+nightly
codegen_flags: <defaults>
</compile_context>

<pallas_src>
import functools

import jax
import jax.numpy as jnp
import numpy as np
from jax import lax
from jax.experimental import pallas as pl
from jax.experimental.pallas import tpu as pltpu
from jax.experimental.pallas import tpu_sc as plsc

N = 4096
IN_DIM = 256
HEADS = 2
K_NUM = 2048
HEAD_DIM = IN_DIM // HEADS


_SCALE = np.float32(1.0 / np.sqrt(128.0))


def _scores_body(h_ref, wq_ref, bq_ref, s0_ref, s1_ref, wshi_ref, bs_ref,
                 out_ref):
    hb = h_ref[...]
    qkv16 = (jnp.dot(hb, wq_ref[...], preferred_element_type=jnp.float32)
             + bq_ref[...]).astype(jnp.bfloat16)
    q0 = qkv16[:, 0:128].astype(jnp.float32)
    q1 = qkv16[:, 128:256].astype(jnp.float32)
    k0 = qkv16[:, 256:384].astype(jnp.float32)
    k1 = qkv16[:, 384:512].astype(jnp.float32)
    v0 = qkv16[:, 512:640].astype(jnp.float32)
    v1 = qkv16[:, 640:768].astype(jnp.float32)
    a00 = jnp.sum(q0 * k0, axis=1) * _SCALE
    a01 = jnp.sum(q0 * k1, axis=1) * _SCALE
    a10 = jnp.sum(q1 * k0, axis=1) * _SCALE
    a11 = jnp.sum(q1 * k1, axis=1) * _SCALE
    m0 = jnp.maximum(a00, a01)
    e00 = jnp.exp(a00 - m0)
    e01 = jnp.exp(a01 - m0)
    s0 = e00 + e01
    m1 = jnp.maximum(a10, a11)
    e10 = jnp.exp(a10 - m1)
    e11 = jnp.exp(a11 - m1)
    s1 = e10 + e11
    w00 = (e00 / s0).astype(jnp.bfloat16).astype(jnp.float32)[:, None]
    w01 = (e01 / s0).astype(jnp.bfloat16).astype(jnp.float32)[:, None]
    w10 = (e10 / s1).astype(jnp.bfloat16).astype(jnp.float32)[:, None]
    w11 = (e11 / s1).astype(jnp.bfloat16).astype(jnp.float32)[:, None]
    out0 = (v0 * w00 + v1 * w01).astype(jnp.bfloat16)
    out1 = (v0 * w10 + v1 * w11).astype(jnp.bfloat16)
    out_flat = (jnp.dot(out0, s0_ref[...], preferred_element_type=jnp.float32)
                + jnp.dot(out1, s1_ref[...], preferred_element_type=jnp.float32)
                ).astype(jnp.bfloat16)
    sc = jnp.dot(out_flat, wshi_ref[...], preferred_element_type=jnp.float32)
    out_ref[...] = sc[:, 0] + bs_ref[0, 0]


def _scores(h, W_qkv, b_qkv2, S0, S1, wshi, b_score2):
    blk = 512
    return pl.pallas_call(
        _scores_body,
        grid=(N // blk,),
        in_specs=[
            pl.BlockSpec((blk, IN_DIM), lambda i: (i, 0)),
            pl.BlockSpec((IN_DIM, 3 * IN_DIM), lambda i: (0, 0)),
            pl.BlockSpec((1, 3 * IN_DIM), lambda i: (0, 0)),
            pl.BlockSpec((HEAD_DIM, IN_DIM), lambda i: (0, 0)),
            pl.BlockSpec((HEAD_DIM, IN_DIM), lambda i: (0, 0)),
            pl.BlockSpec((IN_DIM, 128), lambda i: (0, 0)),
            pl.BlockSpec((1, 1), lambda i: (0, 0), memory_space=pltpu.SMEM),
        ],
        out_specs=pl.BlockSpec((blk,), lambda i: (i,)),
        out_shape=jax.ShapeDtypeStruct((N,), jnp.float32),
    )(h, W_qkv, b_qkv2, S0, S1, wshi, b_score2)


def _ranks_body(scol_ref, srow_ref, out_ref):
    pid = pl.program_id(0)
    si = scol_ref[...]
    sj = srow_ref[...]
    blk = si.shape[0]
    gt = sj > si
    eq = sj == si
    j_ids = lax.broadcasted_iota(jnp.int32, (blk, N), 1)
    i_ids = lax.broadcasted_iota(jnp.int32, (blk, N), 0) + pid * blk
    cnt = jnp.sum((gt | (eq & (j_ids < i_ids))).astype(jnp.int32), axis=1)
    out_ref[...] = cnt


def _ranks(scores_col, scores_row):
    blk = 256
    return pl.pallas_call(
        _ranks_body,
        grid=(N // blk,),
        in_specs=[
            pl.BlockSpec((blk, 1), lambda i: (i, 0)),
            pl.BlockSpec((1, N), lambda i: (0, 0)),
        ],
        out_specs=pl.BlockSpec((blk,), lambda i: (i,)),
        out_shape=jax.ShapeDtypeStruct((N,), jnp.int32),
    )(scores_col, scores_row)


def _make_select():
    info = plsc.get_sparse_core_info()
    nc = info.num_cores

    mesh = plsc.VectorSubcoreMesh(core_axis_name="c", subcore_axis_name="s")

    @functools.partial(
        pl.kernel,
        mesh=mesh,
        compiler_params=pltpu.CompilerParams(needs_layout_passes=False),
        out_type=(
            jax.ShapeDtypeStruct((K_NUM,), jnp.int32),
            jax.ShapeDtypeStruct((K_NUM,), jnp.float32),
        ),
        scratch_types=[
            pltpu.VMEM((N,), jnp.int32),
            pltpu.VMEM((N,), jnp.float32),
            pltpu.VMEM((K_NUM,), jnp.int32),
            pltpu.VMEM((K_NUM,), jnp.float32),
        ],
    )
    def select(rank_hbm, scores_hbm, idx_hbm, val_hbm, rank_v, scores_v,
               idx_v, val_v):
        wid = lax.axis_index("s") * nc + lax.axis_index("c")

        @pl.when(wid == 0)
        def _():
            pltpu.sync_copy(rank_hbm, rank_v)
            pltpu.sync_copy(scores_hbm, scores_v)

            def body(i, carry):
                base = i * 16
                r = rank_v[pl.ds(base, 16)]
                s = scores_v[pl.ds(base, 16)]
                ii = lax.iota(jnp.int32, 16) + base
                msk = r < K_NUM
                plsc.store_scatter(idx_v, [r], ii, mask=msk)
                plsc.store_scatter(val_v, [r], s, mask=msk)
                return carry

            lax.fori_loop(0, N // 16, body, 0)
            pltpu.sync_copy(idx_v, idx_hbm)
            pltpu.sync_copy(val_v, val_hbm)

    return select


def _make_gather(width, chunk, dtype=jnp.float32):
    info = plsc.get_sparse_core_info()
    nc, ns = info.num_cores, info.num_subcores
    nw = nc * ns
    rows_per_w = K_NUM // nw

    mesh = plsc.VectorSubcoreMesh(core_axis_name="c", subcore_axis_name="s")

    @functools.partial(
        pl.kernel,
        mesh=mesh,
        out_type=jax.ShapeDtypeStruct((K_NUM, width), dtype),
        scratch_types=[
            pltpu.VMEM((chunk,), jnp.int32),
            pltpu.VMEM((chunk, width), dtype),
            pltpu.SemaphoreType.DMA,
        ],
    )
    def gather(table_hbm, idx_hbm, out_hbm, idx_v, rows_v, sem):
        wid = lax.axis_index("s") * nc + lax.axis_index("c")
        base = wid * rows_per_w

        def body(c, carry):
            off = base + c * chunk
            pltpu.sync_copy(idx_hbm.at[pl.ds(off, chunk)], idx_v)
            pltpu.async_copy(table_hbm.at[idx_v], rows_v, sem).wait()
            pltpu.sync_copy(rows_v, out_hbm.at[pl.ds(off, chunk)])
            return carry

        lax.fori_loop(0, rows_per_w // chunk, body, 0)

    return gather


def _dsel_body(idx_ref, g_ref, o_ref, et_ref):
    k = pl.program_id(0)

    @pl.when(k == 0)
    def _():
        m_ids = lax.broadcasted_iota(jnp.int32, (N, K_NUM), 0)
        et_ref[...] = (m_ids == idx_ref[...]).astype(jnp.bfloat16)

    g16 = (g_ref[...] != 0.0).astype(jnp.bfloat16)
    o_ref[...] = lax.dot_general(
        g16, et_ref[...], (((1,), (0,)), ((), ())),
        preferred_element_type=jnp.float32).astype(jnp.bfloat16)


def _dsel(g, idx_row):
    bk = 512
    return pl.pallas_call(
        _dsel_body,
        grid=(N // bk,),
        in_specs=[
            pl.BlockSpec((1, K_NUM), lambda k: (0, 0)),
            pl.BlockSpec((bk, N), lambda k: (k, 0)),
        ],
        out_specs=pl.BlockSpec((bk, K_NUM), lambda k: (k, 0)),
        out_shape=jax.ShapeDtypeStruct((N, K_NUM), jnp.bfloat16),
        scratch_shapes=[pltpu.VMEM((N, K_NUM), jnp.bfloat16)],
        compiler_params=pltpu.CompilerParams(
            vmem_limit_bytes=100 * 1024 * 1024),
    )(idx_row, g)


def _mm_body(a_ref, d_ref, o_ref, acc_ref):
    k = pl.program_id(2)

    @pl.when(k == 0)
    def _():
        acc_ref[...] = jnp.zeros_like(acc_ref)

    a16 = (a_ref[...] != 0.0).astype(jnp.bfloat16)
    acc_ref[...] += lax.dot_general(
        a16, d_ref[...], (((1,), (0,)), ((), ())),
        preferred_element_type=jnp.float32)

    @pl.when(k == pl.num_programs(2) - 1)
    def _():
        o_ref[...] = (acc_ref[...] != 0.0).astype(jnp.float32)


def _bigmm(a, dt_bf):
    bm = bn = 2048
    bk = 512
    return pl.pallas_call(
        _mm_body,
        grid=(K_NUM // bm, K_NUM // bn, N // bk),
        in_specs=[
            pl.BlockSpec((bm, bk), lambda i, j, k: (i, k)),
            pl.BlockSpec((bk, bn), lambda i, j, k: (k, j)),
        ],
        out_specs=pl.BlockSpec((bm, bn), lambda i, j, k: (i, j)),
        out_shape=jax.ShapeDtypeStruct((K_NUM, K_NUM), jnp.float32),
        scratch_shapes=[pltpu.VMEM((bm, bn), jnp.float32)],
        compiler_params=pltpu.CompilerParams(
            vmem_limit_bytes=100 * 1024 * 1024),
    )(a, dt_bf)


def _scale_body(x_ref, v_ref, o_ref):
    o_ref[...] = x_ref[...] * v_ref[...]


def _scale(hg, values_col):
    blk = 256
    return pl.pallas_call(
        _scale_body,
        grid=(K_NUM // blk,),
        in_specs=[
            pl.BlockSpec((blk, IN_DIM), lambda i: (i, 0)),
            pl.BlockSpec((blk, 1), lambda i: (i, 0)),
        ],
        out_specs=pl.BlockSpec((blk, IN_DIM), lambda i: (i, 0)),
        out_shape=jax.ShapeDtypeStruct((K_NUM, IN_DIM), jnp.float32),
    )(hg, values_col)


_S0_NP = np.zeros((HEAD_DIM, IN_DIM), np.float32)
_S0_NP[np.arange(HEAD_DIM), 2 * np.arange(HEAD_DIM)] = 1.0
_S1_NP = np.zeros((HEAD_DIM, IN_DIM), np.float32)
_S1_NP[np.arange(HEAD_DIM), 2 * np.arange(HEAD_DIM) + 1] = 1.0


def kernel(g, h, ep, W_qkv, b_qkv, W_score, b_score):
    del ep
    S0 = jnp.asarray(_S0_NP, jnp.bfloat16)
    S1 = jnp.asarray(_S1_NP, jnp.bfloat16)
    wshi = jnp.zeros((IN_DIM, 128), jnp.bfloat16).at[:, 0].set(
        W_score[:, 0].astype(jnp.bfloat16))
    scores = _scores(h, W_qkv, b_qkv.reshape(1, -1), S0, S1, wshi,
                     b_score.reshape(1, 1))
    rank = _ranks(scores.reshape(N, 1), scores.reshape(1, N))
    idx, values = _make_select()(rank, scores)
    a = _make_gather(N, 16)(g, idx)
    hg = _make_gather(IN_DIM, 64)(h, idx)
    dt_bf = _dsel(g, idx.reshape(1, K_NUM))
    un_g = _bigmm(a, dt_bf)
    new_h = _scale(hg, values.reshape(K_NUM, 1))
    return (un_g, new_h, idx)

# --- scband reference (transcript-rebuilt; emitter-appended) ---
"""Pipeline reference for scband-pool-12850542149727 (READ-ONLY COPY).

The authoritative reference and input builder live on the scoring server;
editing this copy changes nothing except your own understanding.
"""

import jax, jax.numpy as jnp
import numpy as np

N = 4096
IN_DIM = 256
HEADS = 2
K_RATIO = 0.5

def setup_inputs(seed: int = 0) -> dict:
    key = jax.random.key(seed)
    k1, k2, k3, k4 = jax.random.split(key, 4)
    g = jax.random.randint(k1, (N, N), 0, 2).astype(jnp.float32)
    h = jax.random.normal(k2, (N, IN_DIM), dtype=jnp.float32)
    W_qkv = jax.random.normal(k3, (IN_DIM, 3 * IN_DIM), dtype=jnp.float32) * (1.0 / np.sqrt(IN_DIM))
    b_qkv = jnp.zeros((3 * IN_DIM,), jnp.float32)
    W_score = jax.random.normal(k4, (IN_DIM, 1), dtype=jnp.float32) * (1.0 / np.sqrt(IN_DIM))
    b_score = jnp.zeros((1,), jnp.float32)
    return {"g": g, "h": h, "ep": 1, "W_qkv": W_qkv, "b_qkv": b_qkv, "W_score": W_score, "b_score": b_score}

def reference(g, h, ep, W_qkv, b_qkv, W_score, b_score):
    n_nodes = h.shape[0]
    qkv = h @ W_qkv + b_qkv
    q, k, v = jnp.split(qkv, 3, axis=-1)
    q = q.reshape(n_nodes, HEADS, -1)
    k = k.reshape(n_nodes, HEADS, -1)
    v = v.reshape(n_nodes, HEADS, -1)
    attn = jnp.einsum('nhd,ngd->nhg', q, k) / (q.shape[-1] ** 0.5)
    attn = jax.nn.softmax(attn, axis=-1)
    # dropout is identity in eval mode
    out = jnp.einsum('nhg,ngd->nhd', attn, v)
    out = jnp.transpose(out, (0, 2, 1)).reshape(n_nodes, -1)
    scores = (out @ W_score + b_score).squeeze(-1)
    k_num = max(2, int(K_RATIO * n_nodes))
    values, idx = jax.lax.top_k(scores, k_num)
    new_h = h[idx, :] * values[:, None]
    un_g = (g != 0).astype(jnp.float32)
    un_g = ((un_g @ un_g) != 0).astype(jnp.float32)
    un_g = un_g[idx, :]
    un_g = un_g[:, idx]
    return (un_g, new_h, idx)

if __name__ == "__main__":
    import jax
    _d = setup_inputs()
    print(jax.jit(kernel)(*tuple(_d.values())))

</pallas_src>

<mosaic_0001>
#map = affine_map<(d0, d1) -> (0)>
module attributes {stable_mosaic.version = 14 : i64} {
  func.func @select(%arg0: i32, %arg1: i32, %arg2: memref<4096xi32, #tpu.memory_space<hbm>>, %arg3: memref<4096xf32, #tpu.memory_space<hbm>>, %arg4: memref<2048xi32, #tpu.memory_space<hbm>>, %arg5: memref<2048xf32, #tpu.memory_space<hbm>>, %arg6: memref<4096xi32, #tpu.memory_space<vmem>>, %arg7: memref<4096xf32, #tpu.memory_space<vmem>>, %arg8: memref<2048xi32, #tpu.memory_space<vmem>>, %arg9: memref<2048xf32, #tpu.memory_space<vmem>>) attributes {dimension_semantics = [#tpu.dimension_semantics<core_parallel>, #tpu.dimension_semantics<subcore_parallel>], iteration_bounds = array<i64: 2, 16>, scalar_prefetch = 0 : i64, scratch_operands = 4 : i64, tpu.core_type = #tpu.core_type<sc_vector_subcore>, window_params = [{transform_indices = #map}, {transform_indices = #map}, {transform_indices = #map}, {transform_indices = #map}]} {
    %mul3A = arith.constant 2 : i32
    %mul3A_0 = arith.muli %arg1, %mul3A : i32
    %add3A = arith.addi %mul3A_0, %arg0 : i32
    %eq3A = arith.constant 0 : i32
    %eq3A_1 = arith.cmpi eq, %add3A, %eq3A : i32
    %convert_element_type3A = arith.extui %eq3A_1 : i1 to i32
    %cond3A = arith.constant 0 : i32
    %cond3A_2 = arith.cmpi ne, %convert_element_type3A, %cond3A : i32
    scf.if %cond3A_2 {
      "tpu.region"() ({
        %run_scoped3A = tpu.sem_alloc : memref<!tpu.dma_semaphore, #tpu.memory_space<semaphore_mem>>
        tpu.enqueue_dma source(%arg2 : memref<4096xi32, #tpu.memory_space<hbm>>) target(%arg6 : memref<4096xi32, #tpu.memory_space<vmem>>) target_semaphore(%run_scoped3A : memref<!tpu.dma_semaphore, #tpu.memory_space<semaphore_mem>>)
        tpu.wait_dma2 semaphore(%run_scoped3A : memref<!tpu.dma_semaphore, #tpu.memory_space<semaphore_mem>>) src(%arg2 : memref<4096xi32, #tpu.memory_space<hbm>>) dst(%arg6 : memref<4096xi32, #tpu.memory_space<vmem>>)
        tpu.yield
      }) : () -> ()
      "tpu.region"() ({
        %run_scoped3A = tpu.sem_alloc : memref<!tpu.dma_semaphore, #tpu.memory_space<semaphore_mem>>
        tpu.enqueue_dma source(%arg3 : memref<4096xf32, #tpu.memory_space<hbm>>) target(%arg7 : memref<4096xf32, #tpu.memory_space<vmem>>) target_semaphore(%run_scoped3A : memref<!tpu.dma_semaphore, #tpu.memory_space<semaphore_mem>>)
        tpu.wait_dma2 semaphore(%run_scoped3A : memref<!tpu.dma_semaphore, #tpu.memory_space<semaphore_mem>>) src(%arg3 : memref<4096xf32, #tpu.memory_space<hbm>>) dst(%arg7 : memref<4096xf32, #tpu.memory_space<vmem>>)
        tpu.yield
      }) : () -> ()
      %scan3A = arith.constant 0 : i32
      %scan3A_3 = arith.constant 0 : i32
      %scan3A_4 = arith.constant 256 : i32
      %scan3A_5 = arith.addi %scan3A_3, %scan3A_4 : i32
      %scan3A_6 = arith.constant 1 : i32
      scf.for %scan3A_8 = %scan3A_3 to %scan3A_5 step %scan3A_6  : i32 {
        %mul3A_9 = arith.constant 16 : i32
        %mul3A_10 = arith.muli %scan3A_8, %mul3A_9 : i32
        %get3A = arith.index_cast %mul3A_10 : i32 to index
        %get3A_11 = tpu.vector_load %arg6[%get3A] {strides = array<i32>} : memref<4096xi32, #tpu.memory_space<vmem>>, vector<16xi32>,
        %get3A_12 = arith.index_cast %mul3A_10 : i32 to index
        %get3A_13 = tpu.vector_load %arg7[%get3A_12] {strides = array<i32>} : memref<4096xf32, #tpu.memory_space<vmem>>, vector<16xf32>,
        %iota3A = tpu.iota {dimensions = array<i32: 0>} : vector<16xi32>
        %add3A_14 = vector.broadcast %mul3A_10 : i32 to vector<16xi32>
        %add3A_15 = arith.addi %iota3A, %add3A_14 : vector<16xi32>
        %lt3A = arith.constant 2048 : i32
        %lt3A_16 = vector.broadcast %lt3A : i32 to vector<16xi32>
        %lt3A_17 = arith.cmpi slt, %get3A_11, %lt3A_16 : vector<16xi32>
        tpu.vector_store_idx %arg8[%get3A_11], %add3A_15 masked %lt3A_17 : memref<2048xi32, #tpu.memory_space<vmem>>[vector<16xi32>], vector<16xi32>, vector<16xi1>
        tpu.vector_store_idx %arg9[%get3A_11], %get3A_13 masked %lt3A_17 : memref<2048xf32, #tpu.memory_space<vmem>>[vector<16xi32>], vector<16xf32>, vector<16xi1>
      }
      %scan3A_7 = arith.constant 256 : i32
      "tpu.region"() ({
        %run_scoped3A = tpu.sem_alloc : memref<!tpu.dma_semaphore, #tpu.memory_space<semaphore_mem>>
        tpu.enqueue_dma source(%arg8 : memref<2048xi32, #tpu.memory_space<vmem>>) target(%arg4 : memref<2048xi32, #tpu.memory_space<hbm>>) target_semaphore(%run_scoped3A : memref<!tpu.dma_semaphore, #tpu.memory_space<semaphore_mem>>)
        tpu.wait_dma2 semaphore(%run_scoped3A : memref<!tpu.dma_semaphore, #tpu.memory_space<semaphore_mem>>) src(%arg8 : memref<2048xi32, #tpu.memory_space<vmem>>) dst(%arg4 : memref<2048xi32, #tpu.memory_space<hbm>>)
        tpu.yield
      }) : () -> ()
      "tpu.region"() ({
        %run_scoped3A = tpu.sem_alloc : memref<!tpu.dma_semaphore, #tpu.memory_space<semaphore_mem>>
        tpu.enqueue_dma source(%arg9 : memref<2048xf32, #tpu.memory_space<vmem>>) target(%arg5 : memref<2048xf32, #tpu.memory_space<hbm>>) target_semaphore(%run_scoped3A : memref<!tpu.dma_semaphore, #tpu.memory_space<semaphore_mem>>)
        tpu.wait_dma2 semaphore(%run_scoped3A : memref<!tpu.dma_semaphore, #tpu.memory_space<semaphore_mem>>) src(%arg9 : memref<2048xf32, #tpu.memory_space<vmem>>) dst(%arg5 : memref<2048xf32, #tpu.memory_space<hbm>>)
        tpu.yield
      }) : () -> ()
    } else {
    }
    return
  }
}

#map = affine_map<(d0, d1) -> (0, 0)>
#map1 = affine_map<(d0, d1) -> (0)>
module attributes {stable_mosaic.version = 14 : i64} {
  func.func @gather(%arg0: i32, %arg1: i32, %arg2: memref<4096x4096xf32, #tpu.memory_space<hbm>>, %arg3: memref<2048xi32, #tpu.memory_space<hbm>>, %arg4: memref<2048x4096xf32, #tpu.memory_space<hbm>>, %arg5: memref<16xi32, #tpu.memory_space<vmem>>, %arg6: memref<16x4096xf32, #tpu.memory_space<vmem>>, %arg7: memref<!tpu.dma_semaphore, #tpu.memory_space<semaphore_mem>>) attributes {dimension_semantics = [#tpu.dimension_semantics<core_parallel>, #tpu.dimension_semantics<subcore_parallel>], iteration_bounds = array<i64: 2, 16>, scalar_prefetch = 0 : i64, scratch_operands = 3 : i64, tpu.core_type = #tpu.core_type<sc_vector_subcore>, window_params = [{transform_indices = #map}, {transform_indices = #map1}, {transform_indices = #map}]} {
    %mul3A = arith.constant 2 : i32
    %mul3A_0 = arith.muli %arg1, %mul3A : i32
    %add3A = arith.addi %mul3A_0, %arg0 : i32
    %mul3A_1 = arith.constant 64 : i32
    %mul3A_2 = arith.muli %add3A, %mul3A_1 : i32
    %scan3A = arith.constant 0 : i32
    %scan3A_3 = arith.constant 0 : i32
    %scan3A_4 = arith.constant 4 : i32
    %scan3A_5 = arith.addi %scan3A_3, %scan3A_4 : i32
    %scan3A_6 = arith.constant 1 : i32
    scf.for %scan3A_8 = %scan3A_3 to %scan3A_5 step %scan3A_6  : i32 {
      %mul3A_9 = arith.constant 16 : i32
      %mul3A_10 = arith.muli %scan3A_8, %mul3A_9 : i32
      %add3A_11 = arith.addi %mul3A_2, %mul3A_10 : i32
      "tpu.region"() ({
        %run_scoped3A = tpu.sem_alloc : memref<!tpu.dma_semaphore, #tpu.memory_space<semaphore_mem>>
        %dma_start3A_16 = tpu.memref_slice %arg3[%add3A_11] : memref<2048xi32, #tpu.memory_space<hbm>> -> memref<16xi32, #tpu.memory_space<hbm>>
        %dma_start3A_17 = tpu.memref_slice %arg3[%add3A_11] : memref<2048xi32, #tpu.memory_space<hbm>> -> memref<16xi32, #tpu.memory_space<hbm>>
        tpu.enqueue_dma source(%dma_start3A_17 : memref<16xi32, #tpu.memory_space<hbm>>) target(%arg5 : memref<16xi32, #tpu.memory_space<vmem>>) target_semaphore(%run_scoped3A : memref<!tpu.dma_semaphore, #tpu.memory_space<semaphore_mem>>)
        %dma_wait3A_18 = tpu.memref_slice %arg3[%add3A_11] : memref<2048xi32, #tpu.memory_space<hbm>> -> memref<16xi32, #tpu.memory_space<hbm>>
        %dma_wait3A_19 = tpu.memref_slice %arg3[%add3A_11] : memref<2048xi32, #tpu.memory_space<hbm>> -> memref<16xi32, #tpu.memory_space<hbm>>
        tpu.wait_dma2 semaphore(%run_scoped3A : memref<!tpu.dma_semaphore, #tpu.memory_space<semaphore_mem>>) src(%dma_wait3A_19 : memref<16xi32, #tpu.memory_space<hbm>>) dst(%arg5 : memref<16xi32, #tpu.memory_space<vmem>>)
        tpu.yield
      }) : () -> ()
      %dma_start3A = arith.constant 0 : i32
      %dma_start3A_12 = arith.constant 0 : i32
      %dma_start3A_13 = tpu.memref_slice %arg2[%dma_start3A, %dma_start3A_12] : memref<4096x4096xf32, #tpu.memory_space<hbm>> -> memref<4096x4096xf32, #tpu.memory_space<hbm>>
      tpu.enqueue_indirect_dma source(%dma_start3A_13 : memref<4096x4096xf32, #tpu.memory_space<hbm>>) target(%arg6 : memref<16x4096xf32, #tpu.memory_space<vmem>>) offsets(%arg5 : memref<16xi32, #tpu.memory_space<vmem>>) semaphore(%arg7 : memref<!tpu.dma_semaphore, #tpu.memory_space<semaphore_mem>>)
      %dma_wait3A = arith.constant 0 : i32
      %dma_wait3A_14 = arith.constant 0 : i32
      %dma_wait3A_15 = tpu.memref_slice %arg2[%dma_wait3A, %dma_wait3A_14] : memref<4096x4096xf32, #tpu.memory_space<hbm>> -> memref<4096x4096xf32, #tpu.memory_space<hbm>>
      tpu.wait_indirect_dma semaphore(%arg7 : memref<!tpu.dma_semaphore, #tpu.memory_space<semaphore_mem>>) src(%dma_wait3A_15 : memref<4096x4096xf32, #tpu.memory_space<hbm>>) dst(%arg6 : memref<16x4096xf32, #tpu.memory_space<vmem>>)
      "tpu.region"() ({
        %run_scoped3A = tpu.sem_alloc : memref<!tpu.dma_semaphore, #tpu.memory_space<semaphore_mem>>
        %dma_start3A_16 = arith.constant 0 : i32
        %dma_start3A_17 = tpu.memref_slice %arg4[%add3A_11, %dma_start3A_16] : memref<2048x4096xf32, #tpu.memory_space<hbm>> -> memref<16x4096xf32, #tpu.memory_space<hbm>>
        %dma_start3A_18 = arith.constant 0 : i32
        %dma_start3A_19 = tpu.memref_slice %arg4[%add3A_11, %dma_start3A_18] : memref<2048x4096xf32, #tpu.memory_space<hbm>> -> memref<16x4096xf32, #tpu.memory_space<hbm>>
        tpu.enqueue_dma source(%arg6 : memref<16x4096xf32, #tpu.memory_space<vmem>>) target(%dma_start3A_19 : memref<16x4096xf32, #tpu.memory_space<hbm>>) target_semaphore(%run_scoped3A : memref<!tpu.dma_semaphore, #tpu.memory_space<semaphore_mem>>)
        %dma_wait3A_20 = arith.constant 0 : i32
        %dma_wait3A_21 = tpu.memref_slice %arg4[%add3A_11, %dma_wait3A_20] : memref<2048x4096xf32, #tpu.memory_space<hbm>> -> memref<16x4096xf32, #tpu.memory_space<hbm>>
        %dma_wait3A_22 = arith.constant 0 : i32
        %dma_wait3A_23 = tpu.memref_slice %arg4[%add3A_11, %dma_wait3A_22] : memref<2048x4096xf32, #tpu.memory_space<hbm>> -> memref<16x4096xf32, #tpu.memory_space<hbm>>
        tpu.wait_dma2 semaphore(%run_scoped3A : memref<!tpu.dma_semaphore, #tpu.memory_space<semaphore_mem>>) src(%arg6 : memref<16x4096xf32, #tpu.memory_space<vmem>>) dst(%dma_wait3A_23 : memref<16x4096xf32, #tpu.memory_space<hbm>>)
        tpu.yield
      }) : () -> ()
    }
    %scan3A_7 = arith.constant 4 : i32
    return
  }
}

#map = affine_map<(d0, d1) -> (0, 0)>
#map1 = affine_map<(d0, d1) -> (0)>
module attributes {stable_mosaic.version = 14 : i64} {
  func.func @gather(%arg0: i32, %arg1: i32, %arg2: memref<4096x256xf32, #tpu.memory_space<hbm>>, %arg3: memref<2048xi32, #tpu.memory_space<hbm>>, %arg4: memref<2048x256xf32, #tpu.memory_space<hbm>>, %arg5: memref<64xi32, #tpu.memory_space<vmem>>, %arg6: memref<64x256xf32, #tpu.memory_space<vmem>>, %arg7: memref<!tpu.dma_semaphore, #tpu.memory_space<semaphore_mem>>) attributes {dimension_semantics = [#tpu.dimension_semantics<core_parallel>, #tpu.dimension_semantics<subcore_parallel>], iteration_bounds = array<i64: 2, 16>, scalar_prefetch = 0 : i64, scratch_operands = 3 : i64, tpu.core_type = #tpu.core_type<sc_vector_subcore>, window_params = [{transform_indices = #map}, {transform_indices = #map1}, {transform_indices = #map}]} {
    %mul3A = arith.constant 2 : i32
    %mul3A_0 = arith.muli %arg1, %mul3A : i32
    %add3A = arith.addi %mul3A_0, %arg0 : i32
    %mul3A_1 = arith.constant 64 : i32
    %mul3A_2 = arith.muli %add3A, %mul3A_1 : i32
    %scan3A = arith.constant 0 : i32
    %scan3A_3 = arith.constant 0 : i32
    %mul3A_4 = arith.constant 64 : i32
    %mul3A_5 = arith.muli %scan3A_3, %mul3A_4 : i32
    %add3A_6 = arith.addi %mul3A_2, %mul3A_5 : i32
    "tpu.region"() ({
      %run_scoped3A = tpu.sem_alloc : memref<!tpu.dma_semaphore, #tpu.memory_space<semaphore_mem>>
      %dma_start3A_12 = tpu.memref_slice %arg3[%add3A_6] : memref<2048xi32, #tpu.memory_space<hbm>> -> memref<64xi32, #tpu.memory_space<hbm>>
      %dma_start3A_13 = tpu.memref_slice %arg3[%add3A_6] : memref<2048xi32, #tpu.memory_space<hbm>> -> memref<64xi32, #tpu.memory_space<hbm>>
      tpu.enqueue_dma source(%dma_start3A_13 : memref<64xi32, #tpu.memory_space<hbm>>) target(%arg5 : memref<64xi32, #tpu.memory_space<vmem>>) target_semaphore(%run_scoped3A : memref<!tpu.dma_semaphore, #tpu.memory_space<semaphore_mem>>)
      %dma_wait3A_14 = tpu.memref_slice %arg3[%add3A_6] : memref<2048xi32, #tpu.memory_space<hbm>> -> memref<64xi32, #tpu.memory_space<hbm>>
      %dma_wait3A_15 = tpu.memref_slice %arg3[%add3A_6] : memref<2048xi32, #tpu.memory_space<hbm>> -> memref<64xi32, #tpu.memory_space<hbm>>
      tpu.wait_dma2 semaphore(%run_scoped3A : memref<!tpu.dma_semaphore, #tpu.memory_space<semaphore_mem>>) src(%dma_wait3A_15 : memref<64xi32, #tpu.memory_space<hbm>>) dst(%arg5 : memref<64xi32, #tpu.memory_space<vmem>>)
      tpu.yield
    }) : () -> ()
    %dma_start3A = arith.constant 0 : i32
    %dma_start3A_7 = arith.constant 0 : i32
    %dma_start3A_8 = tpu.memref_slice %arg2[%dma_start3A, %dma_start3A_7] : memref<4096x256xf32, #tpu.memory_space<hbm>> -> memref<4096x256xf32, #tpu.memory_space<hbm>>
    tpu.enqueue_indirect_dma source(%dma_start3A_8 : memref<4096x256xf32, #tpu.memory_space<hbm>>) target(%arg6 : memref<64x256xf32, #tpu.memory_space<vmem>>) offsets(%arg5 : memref<64xi32, #tpu.memory_space<vmem>>) semaphore(%arg7 : memref<!tpu.dma_semaphore, #tpu.memory_space<semaphore_mem>>)
    %dma_wait3A = arith.constant 0 : i32
    %dma_wait3A_9 = arith.constant 0 : i32
    %dma_wait3A_10 = tpu.memref_slice %arg2[%dma_wait3A, %dma_wait3A_9] : memref<4096x256xf32, #tpu.memory_space<hbm>> -> memref<4096x256xf32, #tpu.memory_space<hbm>>
    tpu.wait_indirect_dma semaphore(%arg7 : memref<!tpu.dma_semaphore, #tpu.memory_space<semaphore_mem>>) src(%dma_wait3A_10 : memref<4096x256xf32, #tpu.memory_space<hbm>>) dst(%arg6 : memref<64x256xf32, #tpu.memory_space<vmem>>)
    "tpu.region"() ({
      %run_scoped3A = tpu.sem_alloc : memref<!tpu.dma_semaphore, #tpu.memory_space<semaphore_mem>>
      %dma_start3A_12 = arith.constant 0 : i32
      %dma_start3A_13 = tpu.memref_slice %arg4[%add3A_6, %dma_start3A_12] : memref<2048x256xf32, #tpu.memory_space<hbm>> -> memref<64x256xf32, #tpu.memory_space<hbm>>
      %dma_start3A_14 = arith.constant 0 : i32
      %dma_start3A_15 = tpu.memref_slice %arg4[%add3A_6, %dma_start3A_14] : memref<2048x256xf32, #tpu.memory_space<hbm>> -> memref<64x256xf32, #tpu.memory_space<hbm>>
      tpu.enqueue_dma source(%arg6 : memref<64x256xf32, #tpu.memory_space<vmem>>) target(%dma_start3A_15 : memref<64x256xf32, #tpu.memory_space<hbm>>) target_semaphore(%run_scoped3A : memref<!tpu.dma_semaphore, #tpu.memory_space<semaphore_mem>>)
      %dma_wait3A_16 = arith.constant 0 : i32
      %dma_wait3A_17 = tpu.memref_slice %arg4[%add3A_6, %dma_wait3A_16] : memref<2048x256xf32, #tpu.memory_space<hbm>> -> memref<64x256xf32, #tpu.memory_space<hbm>>
      %dma_wait3A_18 = arith.constant 0 : i32
      %dma_wait3A_19 = tpu.memref_slice %arg4[%add3A_6, %dma_wait3A_18] : memref<2048x256xf32, #tpu.memory_space<hbm>> -> memref<64x256xf32, #tpu.memory_space<hbm>>
      tpu.wait_dma2 semaphore(%run_scoped3A : memref<!tpu.dma_semaphore, #tpu.memory_space<semaphore_mem>>) src(%arg6 : memref<64x256xf32, #tpu.memory_space<vmem>>) dst(%dma_wait3A_19 : memref<64x256xf32, #tpu.memory_space<hbm>>)
      tpu.yield
    }) : () -> ()
    %scan3A_11 = arith.constant 1 : i32
    return
  }
}

module attributes {stable_mosaic.version = 14 : i64} {
  func.func @_scores_body(%arg0: i32, %arg1: memref<512x256xf32, #tpu.memory_space<vmem>>, %arg2: memref<256x768xf32, #tpu.memory_space<vmem>>, %arg3: memref<1x768xf32, #tpu.memory_space<vmem>>, %arg4: memref<128x256xbf16, #tpu.memory_space<vmem>>, %arg5: memref<128x256xbf16, #tpu.memory_space<vmem>>, %arg6: memref<256x128xbf16, #tpu.memory_space<vmem>>, %arg7: memref<1x1xf32, #tpu.memory_space<smem>>, %arg8: memref<512xf32, #tpu.memory_space<vmem>>) attributes {dimension_semantics = [#tpu.dimension_semantics<arbitrary>], iteration_bounds = array<i64: 8>, scalar_prefetch = 0 : i64, scratch_operands = 0 : i64, tpu.core_type = #tpu.core_type<tc>, window_params = [{transform_indices = @transform_0, window_bounds = array<i64: 512, 256>}, {pipeline_mode = #tpu.pipeline_mode<synchronous>, transform_indices = @transform_1, window_bounds = array<i64: 256, 768>}, {pipeline_mode = #tpu.pipeline_mode<synchronous>, transform_indices = @transform_2, window_bounds = array<i64: 1, 768>}, {pipeline_mode = #tpu.pipeline_mode<synchronous>, transform_indices = @transform_3, window_bounds = array<i64: 128, 256>}, {pipeline_mode = #tpu.pipeline_mode<synchronous>, transform_indices = @transform_4, window_bounds = array<i64: 128, 256>}, {pipeline_mode = #tpu.pipeline_mode<synchronous>, transform_indices = @transform_5, window_bounds = array<i64: 256, 128>}, {transform_indices = @transform_6, window_bounds = array<i64: 1, 1>}, {transform_indices = @transform_7, window_bounds = array<i64: 512>}]} {
    %get3A = arith.constant 0 : index
    %get3A_0 = arith.constant 0 : index
    %get3A_1 = vector.load %arg1[%get3A, %get3A_0] : memref<512x256xf32, #tpu.memory_space<vmem>>, vector<512x256xf32>
    %get3A_2 = arith.constant 0 : index
    %get3A_3 = arith.constant 0 : index
    %get3A_4 = vector.load %arg2[%get3A_2, %get3A_3] : memref<256x768xf32, #tpu.memory_space<vmem>>, vector<256x768xf32>
    %dot_general3A = arith.constant dense<0.000000e+00> : vector<512x768xf32>
    %dot_general3A_5 = tpu.matmul %get3A_1, %get3A_4, %dot_general3A {dimension_numbers = #tpu.dot_dimension_numbers<[1], [0], [0], [1], [0, 0, 1, 1], [], []>, transpose_lhs_hint = false} : vector<512x256xf32>, vector<256x768xf32>, vector<512x768xf32> -> vector<512x768xf32>
    %get3A_6 = arith.constant 0 : index
    %get3A_7 = arith.constant 0 : index
    %get3A_8 = vector.load %arg3[%get3A_6, %get3A_7] : memref<1x768xf32, #tpu.memory_space<vmem>>, vector<1x768xf32>
    %add3A = vector.broadcast %get3A_8 : vector<1x768xf32> to vector<512x768xf32>
    %add3A_9 = arith.addf %dot_general3A_5, %add3A : vector<512x768xf32>
    %convert_element_type3A = arith.truncf %add3A_9 : vector<512x768xf32> to vector<512x768xbf16>
    %slice3A = vector.extract_strided_slice %convert_element_type3A {offsets = [0, 0], sizes = [512, 128], strides = [1, 1]} : vector<512x768xbf16> to vector<512x128xbf16>
    %convert_element_type3A_10 = arith.extf %slice3A : vector<512x128xbf16> to vector<512x128xf32>
    %slice3A_11 = vector.extract_strided_slice %convert_element_type3A {offsets = [0, 128], sizes = [512, 128], strides = [1, 1]} : vector<512x768xbf16> to vector<512x128xbf16>
    %convert_element_type3A_12 = arith.extf %slice3A_11 : vector<512x128xbf16> to vector<512x128xf32>
    %slice3A_13 = vector.extract_strided_slice %convert_element_type3A {offsets = [0, 256], sizes = [512, 128], strides = [1, 1]} : vector<512x768xbf16> to vector<512x128xbf16>
    %convert_element_type3A_14 = arith.extf %slice3A_13 : vector<512x128xbf16> to vector<512x128xf32>
    %slice3A_15 = vector.extract_strided_slice %convert_element_type3A {offsets = [0, 384], sizes = [512, 128], strides = [1, 1]} : vector<512x768xbf16> to vector<512x128xbf16>
    %convert_element_type3A_16 = arith.extf %slice3A_15 : vector<512x128xbf16> to vector<512x128xf32>
    %slice3A_17 = vector.extract_strided_slice %convert_element_type3A {offsets = [0, 512], sizes = [512, 128], strides = [1, 1]} : vector<512x768xbf16> to vector<512x128xbf16>
    %convert_element_type3A_18 = arith.extf %slice3A_17 : vector<512x128xbf16> to vector<512x128xf32>
    %slice3A_19 = vector.extract_strided_slice %convert_element_type3A {offsets = [0, 640], sizes = [512, 128], strides = [1, 1]} : vector<512x768xbf16> to vector<512x128xbf16>
    %convert_element_type3A_20 = arith.extf %slice3A_19 : vector<512x128xbf16> to vector<512x128xf32>
    %mul3A = arith.mulf %convert_element_type3A_10, %convert_element_type3A_14 : vector<512x128xf32>
    %reduce_sum3A = arith.constant dense<0.000000e+00> : vector<512xf32>
    %reduce_sum3A_21 = vector.multi_reduction <add>, %mul3A, %reduce_sum3A [1] : vector<512x128xf32> to vector<512xf32>
    %mul3A_22 = arith.constant 0.0883883461 : f32
    %mul3A_23 = vector.broadcast %mul3A_22 : f32 to vector<512xf32>
    %mul3A_24 = arith.mulf %reduce_sum3A_21, %mul3A_23 : vector<512xf32>
    %mul3A_25 = arith.mulf %convert_element_type3A_10, %convert_element_type3A_16 : vector<512x128xf32>
    %reduce_sum3A_26 = arith.constant dense<0.000000e+00> : vector<512xf32>
    %reduce_sum3A_27 = vector.multi_reduction <add>, %mul3A_25, %reduce_sum3A_26 [1] : vector<512x128xf32> to vector<512xf32>
    %mul3A_28 = arith.constant 0.0883883461 : f32
    %mul3A_29 = vector.broadcast %mul3A_28 : f32 to vector<512xf32>
    %mul3A_30 = arith.mulf %reduce_sum3A_27, %mul3A_29 : vector<512xf32>
    %mul3A_31 = arith.mulf %convert_element_type3A_12, %convert_element_type3A_14 : vector<512x128xf32>
    %reduce_sum3A_32 = arith.constant dense<0.000000e+00> : vector<512xf32>
    %reduce_sum3A_33 = vector.multi_reduction <add>, %mul3A_31, %reduce_sum3A_32 [1] : vector<512x128xf32> to vector<512xf32>
    %mul3A_34 = arith.constant 0.0883883461 : f32
    %mul3A_35 = vector.broadcast %mul3A_34 : f32 to vector<512xf32>
    %mul3A_36 = arith.mulf %reduce_sum3A_33, %mul3A_35 : vector<512xf32>
    %mul3A_37 = arith.mulf %convert_element_type3A_12, %convert_element_type3A_16 : vector<512x128xf32>
    %reduce_sum3A_38 = arith.constant dense<0.000000e+00> : vector<512xf32>
    %reduce_sum3A_39 = vector.multi_reduction <add>, %mul3A_37, %reduce_sum3A_38 [1] : vector<512x128xf32> to vector<512xf32>
    %mul3A_40 = arith.constant 0.0883883461 : f32
    %mul3A_41 = vector.broadcast %mul3A_40 : f32 to vector<512xf32>
    %mul3A_42 = arith.mulf %reduce_sum3A_39, %mul3A_41 : vector<512xf32>
    %max3A = arith.maximumf %mul3A_24, %mul3A_30 : vector<512xf32>
    %sub3A = arith.subf %mul3A_24, %max3A : vector<512xf32>
    %exp3A = math.exp %sub3A : vector<512xf32>
    %sub3A_43 = arith.subf %mul3A_30, %max3A : vector<512xf32>
    %exp3A_44 = math.exp %sub3A_43 : vector<512xf32>
    %add3A_45 = arith.addf %exp3A, %exp3A_44 : vector<512xf32>
    %max3A_46 = arith.maximumf %mul3A_36, %mul3A_42 : vector<512xf32>
    %sub3A_47 = arith.subf %mul3A_36, %max3A_46 : vector<512xf32>
    %exp3A_48 = math.exp %sub3A_47 : vector<512xf32>
    %sub3A_49 = arith.subf %mul3A_42, %max3A_46 : vector<512xf32>
    %exp3A_50 = math.exp %sub3A_49 : vector<512xf32>
    %add3A_51 = arith.addf %exp3A_48, %exp3A_50 : vector<512xf32>
    %div3A = arith.divf %exp3A, %add3A_45 : vector<512xf32>
    %convert_element_type3A_52 = arith.truncf %div3A : vector<512xf32> to vector<512xbf16>
    %convert_element_type3A_53 = arith.extf %convert_element_type3A_52 : vector<512xbf16> to vector<512xf32>
    %broadcast_in_dim3A = vector.shape_cast %convert_element_type3A_53 : vector<512xf32> to vector<512x1xf32>
    %div3A_54 = arith.divf %exp3A_44, %add3A_45 : vector<512xf32>
    %convert_element_type3A_55 = arith.truncf %div3A_54 : vector<512xf32> to vector<512xbf16>
    %convert_element_type3A_56 = arith.extf %convert_element_type3A_55 : vector<512xbf16> to vector<512xf32>
    %broadcast_in_dim3A_57 = vector.shape_cast %convert_element_type3A_56 : vector<512xf32> to vector<512x1xf32>
    %div3A_58 = arith.divf %exp3A_48, %add3A_51 : vector<512xf32>
    %convert_element_type3A_59 = arith.truncf %div3A_58 : vector<512xf32> to vector<512xbf16>
    %convert_element_type3A_60 = arith.extf %convert_element_type3A_59 : vector<512xbf16> to vector<512xf32>
    %broadcast_in_dim3A_61 = vector.shape_cast %convert_element_type3A_60 : vector<512xf32> to vector<512x1xf32>
    %div3A_62 = arith.divf %exp3A_50, %add3A_51 : vector<512xf32>
    %convert_element_type3A_63 = arith.truncf %div3A_62 : vector<512xf32> to vector<512xbf16>
    %convert_element_type3A_64 = arith.extf %convert_element_type3A_63 : vector<512xbf16> to vector<512xf32>
    %broadcast_in_dim3A_65 = vector.shape_cast %convert_element_type3A_64 : vector<512xf32> to vector<512x1xf32>
    %mul3A_66 = vector.broadcast %broadcast_in_dim3A : vector<512x1xf32> to vector<512x128xf32>
    %mul3A_67 = arith.mulf %convert_element_type3A_18, %mul3A_66 : vector<512x128xf32>
    %mul3A_68 = vector.broadcast %broadcast_in_dim3A_57 : vector<512x1xf32> to vector<512x128xf32>
    %mul3A_69 = arith.mulf %convert_element_type3A_20, %mul3A_68 : vector<512x128xf32>
    %add3A_70 = arith.addf %mul3A_67, %mul3A_69 : vector<512x128xf32>
    %convert_element_type3A_71 = arith.truncf %add3A_70 : vector<512x128xf32> to vector<512x128xbf16>
    %mul3A_72 = vector.broadcast %broadcast_in_dim3A_61 : vector<512x1xf32> to vector<512x128xf32>
    %mul3A_73 = arith.mulf %convert_element_type3A_18, %mul3A_72 : vector<512x128xf32>
    %mul3A_74 = vector.broadcast %broadcast_in_dim3A_65 : vector<512x1xf32> to vector<512x128xf32>
    %mul3A_75 = arith.mulf %convert_element_type3A_20, %mul3A_74 : vector<512x128xf32>
    %add3A_76 = arith.addf %mul3A_73, %mul3A_75 : vector<512x128xf32>
    %convert_element_type3A_77 = arith.truncf %add3A_76 : vector<512x128xf32> to vector<512x128xbf16>
    %get3A_78 = arith.constant 0 : index
    %get3A_79 = arith.constant 0 : index
    %get3A_80 = vector.load %arg4[%get3A_78, %get3A_79] : memref<128x256xbf16, #tpu.memory_space<vmem>>, vector<128x256xbf16>
    %dot_general3A_81 = arith.constant dense<0.000000e+00> : vector<512x256xf32>
    %dot_general3A_82 = tpu.matmul %convert_element_type3A_71, %get3A_80, %dot_general3A_81 {dimension_numbers = #tpu.dot_dimension_numbers<[1], [0], [0], [1], [0, 0, 1, 1], [], []>, transpose_lhs_hint = false} : vector<512x128xbf16>, vector<128x256xbf16>, vector<512x256xf32> -> vector<512x256xf32>
    %get3A_83 = arith.constant 0 : index
    %get3A_84 = arith.constant 0 : index
    %get3A_85 = vector.load %arg5[%get3A_83, %get3A_84] : memref<128x256xbf16, #tpu.memory_space<vmem>>, vector<128x256xbf16>
    %dot_general3A_86 = arith.constant dense<0.000000e+00> : vector<512x256xf32>
    %dot_general3A_87 = tpu.matmul %convert_element_type3A_77, %get3A_85, %dot_general3A_86 {dimension_numbers = #tpu.dot_dimension_numbers<[1], [0], [0], [1], [0, 0, 1, 1], [], []>, transpose_lhs_hint = false} : vector<512x128xbf16>, vector<128x256xbf16>, vector<512x256xf32> -> vector<512x256xf32>
    %add3A_88 = arith.addf %dot_general3A_82, %dot_general3A_87 : vector<512x256xf32>
    %convert_element_type3A_89 = arith.truncf %add3A_88 : vector<512x256xf32> to vector<512x256xbf16>
    %get3A_90 = arith.constant 0 : index
    %get3A_91 = arith.constant 0 : index
    %get3A_92 = vector.load %arg6[%get3A_90, %get3A_91] : memref<256x128xbf16, #tpu.memory_space<vmem>>, vector<256x128xbf16>
    %dot_general3A_93 = arith.constant dense<0.000000e+00> : vector<512x128xf32>
    %dot_general3A_94 = tpu.matmul %convert_element_type3A_89, %get3A_92, %dot_general3A_93 {dimension_numbers = #tpu.dot_dimension_numbers<[1], [0], [0], [1], [0, 0, 1, 1], [], []>, transpose_lhs_hint = false} : vector<512x256xbf16>, vector<256x128xbf16>, vector<512x128xf32> -> vector<512x128xf32>
    %slice3A_95 = vector.extract_strided_slice %dot_general3A_94 {offsets = [0, 0], sizes = [512, 1], strides = [1, 1]} : vector<512x128xf32> to vector<512x1xf32>
    %squeeze3A = vector.shape_cast %slice3A_95 : vector<512x1xf32> to vector<512xf32>
    %get3A_96 = arith.constant 0 : index
    %get3A_97 = arith.constant 0 : index
    %get3A_98 = memref.load %arg7[%get3A_96, %get3A_97] : memref<1x1xf32, #tpu.memory_space<smem>>
    %add3A_99 = vector.broadcast %get3A_98 : f32 to vector<512xf32>
    %add3A_100 = arith.addf %squeeze3A, %add3A_99 : vector<512xf32>
    %swap3A = arith.constant 0 : index
    %swap3A_101 = vector.load %arg8[%swap3A] : memref<512xf32, #tpu.memory_space<vmem>>, vector<512xf32>
    tpu.vector_store %arg8[%swap3A], %add3A_100 {strides = array<i32>} : memref<512xf32, #tpu.memory_space<vmem>>, vector<512xf32>,
    return
  }
  func.func @transform_0(%arg0: i32) -> (i32, i32) {
    %c0_i32 = arith.constant 0 : i32
    %c0_i32_0 = arith.constant 0 : i32
    return %arg0, %c0_i32 : i32, i32
  }
  func.func @transform_1(%arg0: i32) -> (i32, i32) {
    %c0_i32 = arith.constant 0 : i32
    %c0_i32_0 = arith.constant 0 : i32
    %c0_i32_1 = arith.constant 0 : i32
    return %c0_i32, %c0_i32_0 : i32, i32
  }
  func.func @transform_2(%arg0: i32) -> (i32, i32) {
    %c0_i32 = arith.constant 0 : i32
    %c0_i32_0 = arith.constant 0 : i32
    %c0_i32_1 = arith.constant 0 : i32
    return %c0_i32, %c0_i32_0 : i32, i32
  }
  func.func @transform_3(%arg0: i32) -> (i32, i32) {
    %c0_i32 = arith.constant 0 : i32
    %c0_i32_0 = arith.constant 0 : i32
    %c0_i32_1 = arith.constant 0 : i32
    return %c0_i32, %c0_i32_0 : i32, i32
  }
  func.func @transform_4(%arg0: i32) -> (i32, i32) {
    %c0_i32 = arith.constant 0 : i32
    %c0_i32_0 = arith.constant 0 : i32
    %c0_i32_1 = arith.constant 0 : i32
    return %c0_i32, %c0_i32_0 : i32, i32
  }
  func.func @transform_5(%arg0: i32) -> (i32, i32) {
    %c0_i32 = arith.constant 0 : i32
    %c0_i32_0 = arith.constant 0 : i32
    %c0_i32_1 = arith.constant 0 : i32
    return %c0_i32, %c0_i32_0 : i32, i32
  }
  func.func @transform_6(%arg0: i32) -> (i32, i32) {
    %c0_i32 = arith.constant 0 : i32
    %c0_i32_0 = arith.constant 0 : i32
    %c0_i32_1 = arith.constant 0 : i32
    return %c0_i32, %c0_i32_0 : i32, i32
  }
  func.func @transform_7(%arg0: i32) -> i32 {
    %c0_i32 = arith.constant 0 : i32
    return %arg0 : i32
  }
}

module attributes {stable_mosaic.version = 14 : i64} {
  func.func @_ranks_body(%arg0: i32, %arg1: memref<256x1xf32, #tpu.memory_space<vmem>>, %arg2: memref<1x4096xf32, #tpu.memory_space<vmem>>, %arg3: memref<256xi32, #tpu.memory_space<vmem>>) attributes {dimension_semantics = [#tpu.dimension_semantics<arbitrary>], iteration_bounds = array<i64: 16>, scalar_prefetch = 0 : i64, scratch_operands = 0 : i64, tpu.core_type = #tpu.core_type<tc>, window_params = [{transform_indices = @transform_0, window_bounds = array<i64: 256, 1>}, {pipeline_mode = #tpu.pipeline_mode<synchronous>, transform_indices = @transform_1, window_bounds = array<i64: 1, 4096>}, {transform_indices = @transform_2, window_bounds = array<i64: 256>}]} {
    %get3A = arith.constant 0 : index
    %get3A_0 = arith.constant 0 : index
    %get3A_1 = vector.load %arg1[%get3A, %get3A_0] : memref<256x1xf32, #tpu.memory_space<vmem>>, vector<256x1xf32>
    %get3A_2 = arith.constant 0 : index
    %get3A_3 = arith.constant 0 : index
    %get3A_4 = vector.load %arg2[%get3A_2, %get3A_3] : memref<1x4096xf32, #tpu.memory_space<vmem>>, vector<1x4096xf32>
    %gt3A = vector.broadcast %get3A_4 : vector<1x4096xf32> to vector<256x4096xf32>
    %gt3A_5 = vector.broadcast %get3A_1 : vector<256x1xf32> to vector<256x4096xf32>
    %gt3A_6 = arith.cmpf ogt, %gt3A, %gt3A_5 : vector<256x4096xf32>
    %eq3A = vector.broadcast %get3A_4 : vector<1x4096xf32> to vector<256x4096xf32>
    %eq3A_7 = vector.broadcast %get3A_1 : vector<256x1xf32> to vector<256x4096xf32>
    %eq3A_8 = arith.cmpf oeq, %eq3A, %eq3A_7 : vector<256x4096xf32>
    %iota3A = tpu.iota {dimensions = array<i32: 1>} : vector<256x4096xi32>
    %iota3A_9 = tpu.iota {dimensions = array<i32: 0>} : vector<256x4096xi32>
    %mul3A = arith.constant 256 : i32
    %mul3A_10 = arith.muli %arg0, %mul3A : i32
    %add3A = vector.broadcast %mul3A_10 : i32 to vector<256x4096xi32>
    %add3A_11 = arith.addi %iota3A_9, %add3A : vector<256x4096xi32>
    %lt3A = arith.cmpi slt, %iota3A, %add3A_11 : vector<256x4096xi32>
    %and3A = arith.andi %eq3A_8, %lt3A : vector<256x4096xi1>
    %or3A = arith.ori %gt3A_6, %and3A : vector<256x4096xi1>
    %convert_element_type3A = arith.extui %or3A : vector<256x4096xi1> to vector<256x4096xi32>
    %reduce_sum3A = arith.constant dense<0> : vector<256xi32>
    %reduce_sum3A_12 = vector.multi_reduction <add>, %convert_element_type3A, %reduce_sum3A [1] : vector<256x4096xi32> to vector<256xi32>
    %swap3A = arith.constant 0 : index
    %swap3A_13 = vector.load %arg3[%swap3A] : memref<256xi32, #tpu.memory_space<vmem>>, vector<256xi32>
    tpu.vector_store %arg3[%swap3A], %reduce_sum3A_12 {strides = array<i32>} : memref<256xi32, #tpu.memory_space<vmem>>, vector<256xi32>,
    return
  }
  func.func @transform_0(%arg0: i32) -> (i32, i32) {
    %c0_i32 = arith.constant 0 : i32
    %c0_i32_0 = arith.constant 0 : i32
    return %arg0, %c0_i32 : i32, i32
  }
  func.func @transform_1(%arg0: i32) -> (i32, i32) {
    %c0_i32 = arith.constant 0 : i32
    %c0_i32_0 = arith.constant 0 : i32
    %c0_i32_1 = arith.constant 0 : i32
    return %c0_i32, %c0_i32_0 : i32, i32
  }
  func.func @transform_2(%arg0: i32) -> i32 {
    %c0_i32 = arith.constant 0 : i32
    return %arg0 : i32
  }
}

module attributes {stable_mosaic.version = 14 : i64} {
  func.func @_dsel_body(%arg0: i32, %arg1: memref<1x2048xi32, #tpu.memory_space<vmem>>, %arg2: memref<512x4096xf32, #tpu.memory_space<vmem>>, %arg3: memref<512x2048xbf16, #tpu.memory_space<vmem>>, %arg4: memref<4096x2048xbf16, #tpu.memory_space<vmem>>) attributes {dimension_semantics = [#tpu.dimension_semantics<arbitrary>], iteration_bounds = array<i64: 8>, scalar_prefetch = 0 : i64, scratch_operands = 1 : i64, tpu.core_type = #tpu.core_type<tc>, window_params = [{pipeline_mode = #tpu.pipeline_mode<synchronous>, transform_indices = @transform_0, window_bounds = array<i64: 1, 2048>}, {transform_indices = @transform_1, window_bounds = array<i64: 512, 4096>}, {transform_indices = @transform_2, window_bounds = array<i64: 512, 2048>}]} {
    %eq3A = arith.constant 0 : i32
    %eq3A_0 = arith.cmpi eq, %arg0, %eq3A : i32
    %convert_element_type3A = arith.extui %eq3A_0 : i1 to i32
    %cond3A = arith.constant 0 : i32
    %cond3A_1 = arith.cmpi ne, %convert_element_type3A, %cond3A : i32
    scf.if %cond3A_1 {
      %iota3A = tpu.iota {dimensions = array<i32: 0>} : vector<4096x2048xi32>
      %get3A_16 = arith.constant 0 : index
      %get3A_17 = arith.constant 0 : index
      %get3A_18 = vector.load %arg1[%get3A_16, %get3A_17] : memref<1x2048xi32, #tpu.memory_space<vmem>>, vector<1x2048xi32>
      %eq3A_19 = vector.broadcast %get3A_18 : vector<1x2048xi32> to vector<4096x2048xi32>
      %eq3A_20 = arith.cmpi eq, %iota3A, %eq3A_19 : vector<4096x2048xi32>
      %convert_element_type3A_21 = arith.extui %eq3A_20 : vector<4096x2048xi1> to vector<4096x2048xi32>
      %convert_element_type3A_22 = arith.sitofp %convert_element_type3A_21 : vector<4096x2048xi32> to vector<4096x2048xf32>
      %convert_element_type3A_23 = arith.truncf %convert_element_type3A_22 : vector<4096x2048xf32> to vector<4096x2048xbf16>
      %swap3A_24 = arith.constant 0 : index
      %swap3A_25 = arith.constant 0 : index
      %swap3A_26 = vector.load %arg4[%swap3A_24, %swap3A_25] : memref<4096x2048xbf16, #tpu.memory_space<vmem>>, vector<4096x2048xbf16>
      tpu.vector_store %arg4[%swap3A_24, %swap3A_25], %convert_element_type3A_23 {strides = array<i32>} : memref<4096x2048xbf16, #tpu.memory_space<vmem>>, vector<4096x2048xbf16>,
    } else {
    }
    %get3A = arith.constant 0 : index
    %get3A_2 = arith.constant 0 : index
    %get3A_3 = vector.load %arg2[%get3A, %get3A_2] : memref<512x4096xf32, #tpu.memory_space<vmem>>, vector<512x4096xf32>
    %ne3A = arith.constant 0.000000e+00 : f32
    %ne3A_4 = vector.broadcast %ne3A : f32 to vector<512x4096xf32>
    %ne3A_5 = arith.cmpf one, %get3A_3, %ne3A_4 : vector<512x4096xf32>
    %convert_element_type3A_6 = arith.extui %ne3A_5 : vector<512x4096xi1> to vector<512x4096xi32>
    %convert_element_type3A_7 = arith.sitofp %convert_element_type3A_6 : vector<512x4096xi32> to vector<512x4096xf32>
    %convert_element_type3A_8 = arith.truncf %convert_element_type3A_7 : vector<512x4096xf32> to vector<512x4096xbf16>
    %get3A_9 = arith.constant 0 : index
    %get3A_10 = arith.constant 0 : index
    %get3A_11 = vector.load %arg4[%get3A_9, %get3A_10] : memref<4096x2048xbf16, #tpu.memory_space<vmem>>, vector<4096x2048xbf16>
    %dot_general3A = arith.constant dense<0.000000e+00> : vector<512x2048xf32>
    %dot_general3A_12 = tpu.matmul %convert_element_type3A_8, %get3A_11, %dot_general3A {dimension_numbers = #tpu.dot_dimension_numbers<[1], [0], [0], [1], [0, 0, 1, 1], [], []>, transpose_lhs_hint = false} : vector<512x4096xbf16>, vector<4096x2048xbf16>, vector<512x2048xf32> -> vector<512x2048xf32>
    %convert_element_type3A_13 = arith.truncf %dot_general3A_12 : vector<512x2048xf32> to vector<512x2048xbf16>
    %swap3A = arith.constant 0 : index
    %swap3A_14 = arith.constant 0 : index
    %swap3A_15 = vector.load %arg3[%swap3A, %swap3A_14] : memref<512x2048xbf16, #tpu.memory_space<vmem>>, vector<512x2048xbf16>
    tpu.vector_store %arg3[%swap3A, %swap3A_14], %convert_element_type3A_13 {strides = array<i32>} : memref<512x2048xbf16, #tpu.memory_space<vmem>>, vector<512x2048xbf16>,
    return
  }
  func.func @transform_0(%arg0: i32) -> (i32, i32) {
    %c0_i32 = arith.constant 0 : i32
    %c0_i32_0 = arith.constant 0 : i32
    %c0_i32_1 = arith.constant 0 : i32
    return %c0_i32, %c0_i32_0 : i32, i32
  }
  func.func @transform_1(%arg0: i32) -> (i32, i32) {
    %c0_i32 = arith.constant 0 : i32
    %c0_i32_0 = arith.constant 0 : i32
    return %arg0, %c0_i32 : i32, i32
  }
  func.func @transform_2(%arg0: i32) -> (i32, i32) {
    %c0_i32 = arith.constant 0 : i32
    %c0_i32_0 = arith.constant 0 : i32
    return %arg0, %c0_i32 : i32, i32
  }
}

module attributes {stable_mosaic.version = 14 : i64} {
  func.func @_mm_body(%arg0: i32, %arg1: i32, %arg2: i32, %arg3: memref<2048x512xf32, #tpu.memory_space<vmem>>, %arg4: memref<512x2048xbf16, #tpu.memory_space<vmem>>, %arg5: memref<2048x2048xf32, #tpu.memory_space<vmem>>, %arg6: memref<2048x2048xf32, #tpu.memory_space<vmem>>) attributes {dimension_semantics = [#tpu.dimension_semantics<arbitrary>, #tpu.dimension_semantics<arbitrary>, #tpu.dimension_semantics<arbitrary>], iteration_bounds = array<i64: 1, 1, 8>, scalar_prefetch = 0 : i64, scratch_operands = 1 : i64, tpu.core_type = #tpu.core_type<tc>, window_params = [{transform_indices = @transform_0, window_bounds = array<i64: 2048, 512>}, {transform_indices = @transform_1, window_bounds = array<i64: 512, 2048>}, {transform_indices = @transform_2, window_bounds = array<i64: 2048, 2048>}]} {
    %eq3A = arith.constant 0 : i32
    %eq3A_0 = arith.cmpi eq, %arg2, %eq3A : i32
    %convert_element_type3A = arith.extui %eq3A_0 : i1 to i32
    %cond3A = arith.constant 0 : i32
    %cond3A_1 = arith.cmpi ne, %convert_element_type3A, %cond3A : i32
    scf.if %cond3A_1 {
      %broadcast_in_dim3A = arith.constant 0.000000e+00 : f32
      %broadcast_in_dim3A_23 = vector.broadcast %broadcast_in_dim3A : f32 to vector<2048x2048xf32>
      %swap3A_24 = arith.constant 0 : index
      %swap3A_25 = arith.constant 0 : index
      %swap3A_26 = vector.load %arg6[%swap3A_24, %swap3A_25] : memref<2048x2048xf32, #tpu.memory_space<vmem>>, vector<2048x2048xf32>
      tpu.vector_store %arg6[%swap3A_24, %swap3A_25], %broadcast_in_dim3A_23 {strides = array<i32>} : memref<2048x2048xf32, #tpu.memory_space<vmem>>, vector<2048x2048xf32>,
    } else {
    }
    %get3A = arith.constant 0 : index
    %get3A_2 = arith.constant 0 : index
    %get3A_3 = vector.load %arg3[%get3A, %get3A_2] : memref<2048x512xf32, #tpu.memory_space<vmem>>, vector<2048x512xf32>
    %ne3A = arith.constant 0.000000e+00 : f32
    %ne3A_4 = vector.broadcast %ne3A : f32 to vector<2048x512xf32>
    %ne3A_5 = arith.cmpf one, %get3A_3, %ne3A_4 : vector<2048x512xf32>
    %convert_element_type3A_6 = arith.extui %ne3A_5 : vector<2048x512xi1> to vector<2048x512xi32>
    %convert_element_type3A_7 = arith.sitofp %convert_element_type3A_6 : vector<2048x512xi32> to vector<2048x512xf32>
    %convert_element_type3A_8 = arith.truncf %convert_element_type3A_7 : vector<2048x512xf32> to vector<2048x512xbf16>
    %get3A_9 = arith.constant 0 : index
    %get3A_10 = arith.constant 0 : index
    %get3A_11 = vector.load %arg6[%get3A_9, %get3A_10] : memref<2048x2048xf32, #tpu.memory_space<vmem>>, vector<2048x2048xf32>
    %get3A_12 = arith.constant 0 : index
    %get3A_13 = arith.constant 0 : index
    %get3A_14 = vector.load %arg4[%get3A_12, %get3A_13] : memref<512x2048xbf16, #tpu.memory_space<vmem>>, vector<512x2048xbf16>
    %dot_general3A = arith.constant dense<0.000000e+00> : vector<2048x2048xf32>
    %dot_general3A_15 = tpu.matmul %convert_element_type3A_8, %get3A_14, %dot_general3A {dimension_numbers = #tpu.dot_dimension_numbers<[1], [0], [0], [1], [0, 0, 1, 1], [], []>, transpose_lhs_hint = false} : vector<2048x512xbf16>, vector<512x2048xbf16>, vector<2048x2048xf32> -> vector<2048x2048xf32>
    %add3A = arith.addf %get3A_11, %dot_general3A_15 : vector<2048x2048xf32>
    %swap3A = arith.constant 0 : index
    %swap3A_16 = arith.constant 0 : index
    %swap3A_17 = vector.load %arg6[%swap3A, %swap3A_16] : memref<2048x2048xf32, #tpu.memory_space<vmem>>, vector<2048x2048xf32>
    tpu.vector_store %arg6[%swap3A, %swap3A_16], %add3A {strides = array<i32>} : memref<2048x2048xf32, #tpu.memory_space<vmem>>, vector<2048x2048xf32>,
    %eq3A_18 = arith.constant 7 : i32
    %eq3A_19 = arith.cmpi eq, %arg2, %eq3A_18 : i32
    %convert_element_type3A_20 = arith.extui %eq3A_19 : i1 to i32
    %cond3A_21 = arith.constant 0 : i32
    %cond3A_22 = arith.cmpi ne, %convert_element_type3A_20, %cond3A_21 : i32
    scf.if %cond3A_22 {
      %get3A_23 = arith.constant 0 : index
      %get3A_24 = arith.constant 0 : index
      %get3A_25 = vector.load %arg6[%get3A_23, %get3A_24] : memref<2048x2048xf32, #tpu.memory_space<vmem>>, vector<2048x2048xf32>
      %ne3A_26 = arith.constant 0.000000e+00 : f32
      %ne3A_27 = vector.broadcast %ne3A_26 : f32 to vector<2048x2048xf32>
      %ne3A_28 = arith.cmpf one, %get3A_25, %ne3A_27 : vector<2048x2048xf32>
      %convert_element_type3A_29 = arith.extui %ne3A_28 : vector<2048x2048xi1> to vector<2048x2048xi32>
      %convert_element_type3A_30 = arith.sitofp %convert_element_type3A_29 : vector<2048x2048xi32> to vector<2048x2048xf32>
      %swap3A_31 = arith.constant 0 : index
      %swap3A_32 = arith.constant 0 : index
      %swap3A_33 = vector.load %arg5[%swap3A_31, %swap3A_32] : memref<2048x2048xf32, #tpu.memory_space<vmem>>, vector<2048x2048xf32>
      tpu.vector_store %arg5[%swap3A_31, %swap3A_32], %convert_element_type3A_30 {strides = array<i32>} : memref<2048x2048xf32, #tpu.memory_space<vmem>>, vector<2048x2048xf32>,
    } else {
    }
    return
  }
  func.func @transform_0(%arg0: i32, %arg1: i32, %arg2: i32) -> (i32, i32) {
    %c0_i32 = arith.constant 0 : i32
    return %arg0, %arg2 : i32, i32
  }
  func.func @transform_1(%arg0: i32, %arg1: i32, %arg2: i32) -> (i32, i32) {
    %c0_i32 = arith.constant 0 : i32
    return %arg2, %arg1 : i32, i32
  }
  func.func @transform_2(%arg0: i32, %arg1: i32, %arg2: i32) -> (i32, i32) {
    %c0_i32 = arith.constant 0 : i32
    return %arg0, %arg1 : i32, i32
  }
}

module attributes {stable_mosaic.version = 14 : i64} {
  func.func @_scale_body(%arg0: i32, %arg1: memref<256x256xf32, #tpu.memory_space<vmem>>, %arg2: memref<256x1xf32, #tpu.memory_space<vmem>>, %arg3: memref<256x256xf32, #tpu.memory_space<vmem>>) attributes {dimension_semantics = [#tpu.dimension_semantics<arbitrary>], iteration_bounds = array<i64: 8>, scalar_prefetch = 0 : i64, scratch_operands = 0 : i64, tpu.core_type = #tpu.core_type<tc>, window_params = [{transform_indices = @transform_0, window_bounds = array<i64: 256, 256>}, {transform_indices = @transform_1, window_bounds = array<i64: 256, 1>}, {transform_indices = @transform_2, window_bounds = array<i64: 256, 256>}]} {
    %get3A = arith.constant 0 : index
    %get3A_0 = arith.constant 0 : index
    %get3A_1 = vector.load %arg1[%get3A, %get3A_0] : memref<256x256xf32, #tpu.memory_space<vmem>>, vector<256x256xf32>
    %get3A_2 = arith.constant 0 : index
    %get3A_3 = arith.constant 0 : index
    %get3A_4 = vector.load %arg2[%get3A_2, %get3A_3] : memref<256x1xf32, #tpu.memory_space<vmem>>, vector<256x1xf32>
    %mul3A = vector.broadcast %get3A_4 : vector<256x1xf32> to vector<256x256xf32>
    %mul3A_5 = arith.mulf %get3A_1, %mul3A : vector<256x256xf32>
    %swap3A = arith.constant 0 : index
    %swap3A_6 = arith.constant 0 : index
    %swap3A_7 = vector.load %arg3[%swap3A, %swap3A_6] : memref<256x256xf32, #tpu.memory_space<vmem>>, vector<256x256xf32>
    tpu.vector_store %arg3[%swap3A, %swap3A_6], %mul3A_5 {strides = array<i32>} : memref<256x256xf32, #tpu.memory_space<vmem>>, vector<256x256xf32>,
    return
  }
  func.func @transform_0(%arg0: i32) -> (i32, i32) {
    %c0_i32 = arith.constant 0 : i32
    %c0_i32_0 = arith.constant 0 : i32
    return %arg0, %c0_i32 : i32, i32
  }
  func.func @transform_1(%arg0: i32) -> (i32, i32) {
    %c0_i32 = arith.constant 0 : i32
    %c0_i32_0 = arith.constant 0 : i32
    return %arg0, %c0_i32 : i32, i32
  }
  func.func @transform_2(%arg0: i32) -> (i32, i32) {
    %c0_i32 = arith.constant 0 : i32
    %c0_i32_0 = arith.constant 0 : i32
    return %arg0, %c0_i32 : i32, i32
  }
}

</mosaic_0001>

<sc_bundles>
// kernel: kernel.10.cloned.1.call-start
scs
__scs_entry_jumppad:
0x0: {  	(pc) =	sbr.rel $0x88, $3  }
0x1: {  	(tag) =	ssettag $0x0;
	lr =	simm.s32 $0x1  }
0x2: {  	[smem:$0x3F9B] =	sst lr;
	_ =	strace $0xD0000000  }
0x3: {  	_ = 	snop  }
0x4: {  	_ = 	snop  }
0x5: {  	_ = 	snop  }
0x6: {  	_ = 	snop  }
0x7: {  	_ = 	snop  }
__scs_overlays_trampoline_lowered:
0x8: {  	[smem:$0x3FAA] =	sst s0  }
0x9: {  	[smem:$0x3FAB] =	sst s1  }
0xa: {  	[smem:$0x3FAC] =	sst s2  }
0xb: {  	[smem:$0x3FAD] =	sst s3  }
0xc: {  	[smem:$0x3FAE] =	sst s4  }
0xd: {  	[smem:$0x3FAF] =	sst s5  }
0xe: {  	[smem:$0x3FB0] =	sst s6  }
0xf: {  	[smem:$0x3FB1] =	sst s7  }
0x10: {  	[smem:$0x3FB2] =	sst s8  }
0x11: {  	[smem:$0x3FB3] =	sst s9;
	s0 =	simm.s32 @!p0 $0x0  }
0x12: {  	s1 =	sld [smem:$0x3F99];
	s0 =	simm.s32 @p0 $0x1  }
0x13: {  	[smem:$0x3FB4] =	sst s0;
	s0 =	simm.s32 @!p1 $0x0  }
0x14: {  	s2 =	sld [smem:$0x3F98];
	s0 =	simm.s32 @p1 $0x1  }
0x15: {  	[smem:$0x3FB5] =	sst s0;
	s0 =	simm.s32 @!p2 $0x0  }
0x16: {  	s3 =	sld [smem:$0x3FDB];
	s0 =	simm.s32 @p2 $0x1  }
0x17: {  	s4 =	simm.s32 $0x1BF5;
	[smem:$0x3FB7] =	sst s0  }
0x18: {  	s0 =	sld [smem:$0x3F9A];
	_ =	swait.ge [sflag:s4], $0x0  }
0x19: {  	s7 =	sld [smem:$0x3F9B]  }
0x1a: {  	s8 =	sadd.s32 $0xFFFFE003, lr  }
0x1b: {  	s9 =	sadd.s32 $0xFFFFFEF7, lr;
	s5 =	simm.s32 $0xFFFFFFFF;
	p2 =	slt.u32 s8, $0xFFFFF086  }
0x1c: {  	p1 =	slt.u32 s9, $0xF7A;
	s5 =	simm.s32 @!p2 $0x0  }
0x1d: {  	s5 =	simm.s32 @p1 $0x1;
	p0 =	seq.s32 s7, s2  }
0x1e: {  	s7 =	smul.u32 @!p0 $0xF7A, s2;
	p2 =	seq.s32 @!p0 s5, $0x0  }
0x1f: {  	s9 =	smul.u32 $0xF7A, s1;
	s8 =	simm.s32 @!p0 $0x1BF5;
	p2 =	por !p2, p0  }
0x20: {  	[sflag:s8] =	ssyncset.s32 @!p0 $0xFFFFF086;
	s6 =	sadd.s32 @!p0 s3, s7;
	s7 =	simm.s32 @!p0 $0x108  }
0x21: {  	s3 =	sadd.s32 s3, s9;
	s6 =	sadd.s32 @!p0 $0x88, s6;
	s7 =	simm.s32 @p2 $0x1082  }
0x22: {  	[simem:s7], [sflag:s8] =	dma.local @!p0 [hbm:s6], $0xF7A  }
0x23: {  	s9 =	sor.u32 $0xD0000000, s2;
	s6 =	simm.s32 $0x108;
	_ =	swait.ge @!p0 [sflag:s8], $0x0  }
0x24: {  	s3 =	sadd.s32 $0x88, s3;
	s6 =	simm.s32 @!p1 $0x1082;
	[sflag:s4] =	ssyncset.s32 $0xFFFFF086  }
0x25: {  	[simem:s6], [sflag:s4] =	dma.local [hbm:s3], $0xF7A  }
0x26: {  	[smem:$0x3F9B] =	sst s1;
	(tag) =	ssettag s2;
	_ =	strace s9  }
0x27: {  	s1 =	sld [smem:$0x3FAB]  }
0x28: {  	s2 =	sld [smem:$0x3FAC]  }
0x29: {  	s4 =	sld [smem:$0x3FAE]  }
0x2a: {  	p0 =	seq.s32 s5, $0x0;
	s5 =	sld [smem:$0x3FAF]  }
0x2b: {  	s6 =	sld [smem:$0x3FB0]  }
0x2c: {  	s7 =	sld [smem:$0x3FB1]  }
0x2d: {  	s3 =	simm.s32 $0x108;
	s8 =	sld [smem:$0x3FB2]  }
0x2e: {  	s3 =	simm.s32 @!p0 $0x1082;
	s9 =	sld [smem:$0x3FB3]  }
0x2f: {  	lr =	sadd.s32 s0, s3;
	s0 =	sld [smem:$0x3FAA]  }
0x30: {  	s3 =	sld [smem:$0x3FAD]  }
0x31: {  	[smem:$0x3FB6] =	sst s10  }
0x32: {  	s10 =	sld [smem:$0x3FB4];
	_ =	sdelay $0x3  }
0x33: {  	p0 =	seq.s32 s10, $0x1;
	s10 =	sld [smem:$0x3FB6];
	_ =	sdelay $0x3  }
0x34: {  	[smem:$0x3FB6] =	sst s10  }
0x35: {  	s10 =	sld [smem:$0x3FB5];
	_ =	sdelay $0x3  }
0x36: {  	p1 =	seq.s32 s10, $0x1;
	s10 =	sld [smem:$0x3FB6];
	_ =	sdelay $0x3  }
0x37: {  	[smem:$0x3FB6] =	sst s10  }
0x38: {  	s10 =	sld [smem:$0x3FB7]  }
0x39: {  	_ = 	snop;
	(pc) =	sbr.ind lr, $3  }
0x3a: {  	_ = 	snop  }
0x3b: {  	_ = 	snop  }
0x3c: {  	p2 =	seq.s32 s10, $0x1;
	s10 =	sld [smem:$0x3FB6]  }
0x3d: {  	_ =	shalt  }
0x3e: {  	_ =	shalt  }
0x3f: {  	_ =	shalt  }
0x40: {  	_ =	shalt  }
0x41: {  	_ =	shalt  }
0x42: {  	_ =	shalt  }
0x43: {  	_ =	shalt  }
0x44: {  	_ =	shalt  }
0x45: {  	_ =	shalt  }
0x46: {  	_ =	shalt  }
0x47: {  	_ =	shalt  }
0x48: {  	_ =	shalt  }
0x49: {  	_ =	shalt  }
0x4a: {  	_ =	shalt  }
0x4b: {  	_ =	shalt  }
0x4c: {  	_ =	shalt  }
0x4d: {  	_ =	shalt  }
0x4e: {  	_ =	shalt  }
0x4f: {  	_ =	shalt  }
0x50: {  	_ =	shalt  }
0x51: {  	_ =	shalt  }
0x52: {  	_ =	shalt  }
0x53: {  	_ =	shalt  }
0x54: {  	_ =	shalt  }
0x55: {  	_ =	shalt  }
0x56: {  	_ =	shalt  }
0x57: {  	_ =	shalt  }
0x58: {  	_ =	shalt  }
0x59: {  	_ =	shalt  }
0x5a: {  	_ =	shalt  }
0x5b: {  	_ =	shalt  }
0x5c: {  	_ =	shalt  }
0x5d: {  	_ =	shalt  }
0x5e: {  	_ =	shalt  }
0x5f: {  	_ =	shalt  }
0x60: {  	_ =	shalt  }
0x61: {  	_ =	shalt  }
0x62: {  	_ =	shalt  }
0x63: {  	_ =	shalt  }
0x64: {  	_ =	shalt  }
0x65: {  	_ =	shalt  }
0x66: {  	_ =	shalt  }
0x67: {  	_ =	shalt  }
0x68: {  	_ =	shalt  }
0x69: {  	_ =	shalt  }
0x6a: {  	_ =	shalt  }
0x6b: {  	_ =	shalt  }
0x6c: {  	_ =	shalt  }
0x6d: {  	_ =	shalt  }
0x6e: {  	_ =	shalt  }
0x6f: {  	_ =	shalt  }
0x70: {  	_ =	shalt  }
0x71: {  	_ =	shalt  }
0x72: {  	_ =	shalt  }
0x73: {  	_ =	shalt  }
0x74: {  	_ =	shalt  }
0x75: {  	_ =	shalt  }
0x76: {  	_ =	shalt  }
0x77: {  	_ =	shalt  }
0x78: {  	_ =	shalt  }
0x79: {  	_ =	shalt  }
0x7a: {  	_ =	shalt  }
0x7b: {  	_ =	shalt  }
0x7c: {  	_ =	shalt  }
0x7d: {  	_ =	shalt  }
0x7e: {  	_ =	shalt  }
0x7f: {  	_ =	shalt  }
0x80: {  	_ =	shalt  }
0x81: {  	_ =	shalt  }
0x82: {  	_ =	shalt  }
0x83: {  	_ =	shalt  }
0x84: {  	_ =	shalt  }
0x85: {  	_ =	shalt  }
0x86: {  	_ =	shalt  }
0x87: {  	_ =	shalt  }
.Lfunc_end0:
.L_simem_size_0:
called_computation_lowered:
.L_overlay_start_0:
0x88: {  	s2 =	sld [smem:$0x3FD9]  }
0x89: {  	s3 =	sld [smem:$0x3FFE];
	_ =	sdelay $0x1  }
0x8a: {  	s1 =	srdreg.scid  }
0x8b: {  	s0 =	sand.u32 $0x1, s1  }
0x8c: {  	s14 =	sshll.u32 s0, $0xA;
	s2 =	sadd.s32 s3, s2  }
0x8d: {  	s2 =	sadd.s32 s2, s14  }
0x8e: {  	[smem:$0x3FC2] =	sst s2  }
0x8f: {  	_ = 	snop  }
0x90: {  	s2 =	sld [smem:$0x3FD0];
	_ =	sdelay $0x2  }
0x91: {  	s15 =	simm.s32 $0xB;
	s4 =	simm.s32 $0x10  }
0x92: {  	[smem:s4], [sflag:s15] =	dma.local [hbm:s2], $0x1  }
0x93: {  	_ =	swait.eq [sflag:s15], $0x1  }
0x94: {  	s16 =	sld [smem:$0x10];
	[sflag:s15] =	ssyncset.done $0x0  }
0x95: {  	s17 =	sld [smem:$0x11];
	[sflag:s15] =	ssyncadd.s32 $0xFFFFFFFF  }
0x96: {  	s18 =	sld [smem:$0x12];
	(tm) =	ssettm $0x1  }
0x97: {  	s5 =	sld [smem:$0x3FFB];
	_ =	sdelay $0x3  }
0x98: {  	_ =	strace s5  }
0x99: {  	s5 =	sld [smem:$0x3FFC];
	_ =	sdelay $0x3  }
0x9a: {  	_ =	strace s5  }
0x9b: {  	s5 =	sld [smem:$0x3FFD];
	_ =	sdelay $0x3  }
0x9c: {  	_ =	strace s5  }
0x9d: {  	_ =	strace $0x8FFFFFFF  }
0x9e: {  	s19 =	sld [smem:$0x3FDB];
	_ =	sdelay $0x1  }
0x9f: {  	s6 =	simm.s32 $_scs_section_size  }
0xa0: {  	s7 =	simm.s32 $_size__tile_overlayer_lowered;
	s8 =	simm.s32 $_tile_overlayer_lowered  }
0xa1: {  	s22 =	simm.s32 $0x1BFF;
	s21 =	sshll.u32 s8, $0x1;
	s5 =	sadd.s32 s6, s19  }
0xa2: {  	s9 =	simm.s32 $0x0;
	s20 =	sshll.u32 s7, $0x1;
	s7 =	sadd.s32 s21, s5  }
0xa3: {  	[timem:s9], [sflag:s22] =	dma.local [hbm:s7], s20  }
0xa4: {  	_ =	swait.ge [sflag:s22], s20  }
0xa5: {  	s6 =	ssub.s32 $0x0, s20;
	[sflag:s22] =	ssyncset.done $0x0  }
0xa6: {  	[sflag:s22] =	ssyncadd.s32 s6;
	_ =	sdelay $0x1  }
0xa7: {  	s23 =	simm.s32 $0x1B8B  }
0xa8: {  	_ =	swait.ge [sflag:s23], $0x1  }
0xa9: {  	[sflag:s23] =	ssyncset.done $0x0  }
0xaa: {  	s25 =	simm.s32 $0x1B8E;
	s24 =	sld [smem:$0x3FFE];
	[sflag:s23] =	ssyncadd.s32 $0xFFFFFFFF  }
0xab: {  	s26 =	simm.s32 $execute0_lowered;
	[smem:$0x3FD2] =	sst s25  }
0xac: {  	s7 =	sshll.u32 s26, $0x1;
	_ =	strace $0x80000046;
	[dreg:$0x1] =	wrdreg $0xFFFFFFFF  }
0xad: {  	s28 =	simm.s32 $_size_execute0_lowered;
	s5 =	sadd.s32 s5, s7;
	[dreg:$0x0] =	wrdreg $0x0  }
0xae: {  	s7 =	sshll.u32 s28, $0x1;
	[dreg:$0x2] =	wrdreg s5  }
0xaf: {  	[dreg:$0x3] =	wrdreg s7  }
0xb0: {  	[dreg:$0x4] =	wrdreg $0xC0  }
0xb1: {  	_ =	task [dreg:s9], $0x5FFFF  }
0xb2: {  	[dreg:$0x1] =	wrdreg $0xFFFFFFFF  }
0xb3: {  	[dreg:$0x0] =	wrdreg $0x60  }
0xb4: {  	[dreg:$0x2] =	wrdreg s17  }
0xb5: {  	[dreg:$0x3] =	wrdreg s16  }
0xb6: {  	[dreg:$0x4] =	wrdreg s18  }
0xb7: {  	[dreg:$0x5] =	wrdreg s24  }
0xb8: {  	[dreg:$0x6] =	wrdreg $0x9  }
0xb9: {  	_ =	task.clear_ibuf [dreg:s9], $0x7FFFF;
	_ =	strace $0x90000046  }
0xba: {  	s29 =	simm.s32 $0x9;
	_ =	strace $0x80000048  }
0xbb: {  	_ =	swait.ge [sflag:s29], $0x1  }
0xbc: {  	[sflag:s29] =	ssyncadd.s32 $0xFFFFFFFF  }
0xbd: {  	_ =	strace $0x90000048  }
0xbe: {  	_ =	sfence  }
0xbf: {  	s30 =	sld [smem:$0x0];
	_ =	sdelay $0x2  }
0xc0: {  	s31 =	sshll.u32 s1, $0xD;
	s1 =	sshrl.u32 s1, $0x2  }
0xc1: {  	s3 =	sand.u32 $0x4000, s31;
	s1 =	sadd.s32 s1, s30  }
0xc2: {  	s0 =	sor.u32 s3, s0;
	s1 =	sshll.u32 s1, $0x11  }
0xc3: {  	s0 =	sor.u32 s1, s0  }
0xc4: {  	s0 =	sadd.s32 $0x8F2B, s0  }
0xc5: {  	[sflag:s0] =	ssyncadd.remote.s32 $0x1  }
0xc6: {  	_ =	sfence.sel $0xFFFF  }
0xc7: {  	[dreg:$0x0] =	wrdreg $0xFFFFFFFF;
	(pc) =	sbr.abs _section_cstart, $3  }
0xc8: {  	[dreg:$0x1] =	wrdreg $0xFFFFFFFF  }
0xc9: {  	_ =	task.clear_ibuf [dreg:s9], $0x2FFFF;
	_ =	strace $0x9FFFFFFF  }
0xca: {  	(tm) =	ssettm $0x7FFFFFFF  }
0xcb: {  	_ =	shalt  }
tec
execute0_lowered:
.L_overlay_start_1:
0x0: {  	(tag) =	ssettag $0x1  }
0x1: {  	s1 =	srdreg.scid  }
0x2: {  	s5 =	sand.u32 $0x1, s1;
	s1 =	stileid.u32  }
0x3: {  	s7 =	sshll.u32 s1, $0x1;
	s8 =	ssub.s32 $0x0, s5  }
0x4: {  	p0 =	sne.s32 s7, s8  }
.Ltmp0:
0x5: {  	s0 =	rddreg [dreg:$0x0];
	(pc) =	sbr.rel @p0 .LBB2_5-.Ltmp0, $4  }
0x6: {  	s2 =	rddreg [dreg:$0x1]  }
0x7: {  	s4 =	rddreg [dreg:$0x2]  }
0x8: {  	s6 =	rddreg [dreg:$0x3]  }
0x9: {  	s3 =	rddreg [dreg:$0x4];
	_ =	strace $0x80000047  }
0xa: {  	s7 =	ssub.s32 $0x2, s5  }
0xb: {  	s5 =	sadd.s32 $0x1800, s6;
	s9 =	simm.s32 $0x2000;
	s8 =	sshrl.u32 s7, $0x1  }
0xc: {  	s10 =	simm.s32 $0x2800;
	s11 =	simm.s32 $0x0;
	s31 =	ssub.s32 s7, s8  }
0xd: {  	v0 =	vlaneseq.u32;
	s7 =	simm.s32 $0x0;
	s8 =	simm.s32 $0x1;
	s6 =	smax.u32 s31, $0x1  }
.LBB2_2:
0xe: {  	[tilespmem:s7], [sflag:$0x1] =	stream.linear.gather [hbm4b:s0+s7], $0x1000, $0x38;
	[tilespmem:$0x3000] =	vst v63  }
0xf: {  	_ =	swait.ge [sflag:s8], $0x1000  }
0x10: {  	[sflag:s8] =	ssyncset.done $0x0  }
0x11: {  	s12 =	simm.s32 $0x1000;
	[sflag:s8] =	ssyncadd.s32 $0xFFFFF000  }
0x12: {  	[tilespmem:s12], [sflag:$0x1] =	stream.linear.gather [hbm4b:s2+s7], $0x1000, $0x38;
	[tilespmem:$0x3000] =	vst v63  }
0x13: {  	_ =	swait.ge [sflag:s8], $0x1000  }
0x14: {  	[sflag:s8] =	ssyncset.done $0x0  }
0x15: {  	[sflag:s8] =	ssyncadd.s32 $0xFFFFF000  }
0x16: {  	v1 =	vld [tilespmem:s7+$0x0];
	_ =	sdelay $0x4  }
0x17: {  	vm0 =	vlt.s32 v1, $0x800;
	_ =	sdelay $0x1  }
0x18: {  	v2 =	vld [tilespmem:s12+$0x0];
	_ =	sdelay $0x2  }
0x19: {  	v3 =	vor.u32 s7, v0  }
0x1a: {  	[tilespmem:v1+s9+$0x0] =	vst.idx.msk vm0, v3  }
0x1b: {  	s13 =	simm.s32 $0x10;
	[tilespmem:v1+s10+$0x0] =	vst.idx.msk vm0, v2  }
0x1c: {  	v1 =	vld [tilespmem:s13+$0x0]  }
0x1d: {  	s14 =	simm.s32 $0x20;
	s15 =	simm.s32 $0x10  }
.LBB2_3:
0x1e: {  	p0 =	sne.s32 s14, $0xFF0;
	_ =	sdelay $0x2  }
0x1f: {  	vm0 =	vlt.s32 v1, $0x800  }
0x20: {  	s12 =	sadd.s32 $0x10, s12  }
0x21: {  	v2 =	vld [tilespmem:s12+$0x0];
	_ =	sdelay $0x2  }
.Ltmp1:
0x22: {  	v3 =	vor.u32 s13, v0;
	s13 =	smov.u32 s14;
	(pc) =	sbr.rel @p0 .LBB2_3-.Ltmp1, $4  }
0x23: {  	[tilespmem:v1+s9+$0x0] =	vst.idx.msk vm0, v3  }
0x24: {  	s15 =	sadd.s32 $0x10, s15;
	[tilespmem:v1+s10+$0x0] =	vst.idx.msk vm0, v2  }
0x25: {  	v1 =	vld [tilespmem:s15+$0x0]  }
0x26: {  	s14 =	sadd.s32 $0x10, s14  }
0x27: {  	_ =	sdelay $0x2  }
0x28: {  	vm0 =	vlt.s32 v1, $0x800  }
0x29: {  	s12 =	sadd.s32 $0x10, s12  }
0x2a: {  	v2 =	vld [tilespmem:s12+$0x0];
	_ =	sdelay $0x2  }
0x2b: {  	v3 =	vor.u32 s13, v0  }
0x2c: {  	[tilespmem:v1+s9+$0x0] =	vst.idx.msk vm0, v3  }
0x2d: {  	[tilespmem:v1+s10+$0x0] =	vst.idx.msk vm0, v2  }
0x2e: {  	[hbm4b:s4+s7] =	stream.linear.scatter [tilespmem:s9], [sflag:$0x1], $0x800, $0x38;
	[tilespmem:$0x3000] =	vst v63  }
0x2f: {  	s11 =	sadd.s32 $0x1, s11;
	_ =	swait.ge [sflag:s8], $0x800  }
0x30: {  	p0 =	sne.s32 s11, s6;
	[sflag:s8] =	ssyncset.done $0x0  }
.Ltmp2:
0x31: {  	[sflag:s8] =	ssyncadd.s32 $0xFFFFF800;
	(pc) =	sbr.rel @p0 .LBB2_2-.Ltmp2, $4  }
0x32: {  	[hbm4b:s5+s7] =	stream.linear.scatter [tilespmem:s10], [sflag:$0x1], $0x800, $0x38;
	[tilespmem:$0x3000] =	vst v63  }
0x33: {  	_ =	swait.ge [sflag:s8], $0x800  }
0x34: {  	[sflag:s8] =	ssyncset.done $0x0  }
0x35: {  	[sflag:s8] =	ssyncadd.s32 $0xFFFFF800  }
.LBB2_5:
0x36: {  	_ =	sfence.sel $0x180000  }
0x37: {  	[bflag:$0x0] =	sbarrier.arrive $0xFFFF  }
0x38: {  	p0 =	sne.s32 s1, $0x0;
	_ =	strace $0x90000047  }
0x39: {  	s0 =	sadd.s32 @!p0 $0x100000, s3;
	[bflag:$0x2] =	sbarrier.arrive $0xFFFF  }
0x3a: {  	[sflag:s0] =	ssyncadd.tile.s32 @!p0 $0x1;
	_ =	shalt  }
.Lfunc_end2:
_tile_overlayer_lowered:
.L_overlay_start_2:
0x3b: {  	(tag) =	ssettag $0x2  }
0x3c: {  	s0 =	rddreg [dreg:$0x0];
	s2 =	stileid.u32  }
0x3d: {  	s1 =	rddreg [dreg:$0x1];
	p0 =	sne.s32 s2, $0x0  }
0x3e: {  	s3 =	rddreg [dreg:$0x2];
	[bflag:$0x3] =	sbarrier.arrive $0xFFFF;
	s2 =	simm.s32 @!p0 $0x1C01  }
0x3f: {  	[timem:s3], [sflag:s2] =	dma.local @!p0 [hbm:s0], s1  }
0x40: {  	s0 =	simm.s32 @!p0 $0x1  }
0x41: {  	_ =	swait.ge @!p0 [sflag:s0], s1  }
0x42: {  	s1 =	ssub.s32 @!p0 $0x0, s1;
	[sflag:s0] =	ssyncset.done @!p0 $0x0  }
0x43: {  	[sflag:s0] =	ssyncadd.s32 @!p0 s1  }
0x44: {  	[bflag:$0x3] =	sbarrier.arrive $0xFFFF  }
0x45: {  	_ =	shalt  }

// kernel: kernel.13.cloned.1.call-start
scs
__scs_entry_jumppad:
0x0: {  	(pc) =	sbr.rel $0x88, $3  }
0x1: {  	(tag) =	ssettag $0x0;
	lr =	simm.s32 $0x1  }
0x2: {  	[smem:$0x3F9B] =	sst lr;
	_ =	strace $0xD0000000  }
0x3: {  	_ = 	snop  }
0x4: {  	_ = 	snop  }
0x5: {  	_ = 	snop  }
0x6: {  	_ = 	snop  }
0x7: {  	_ = 	snop  }
__scs_overlays_trampoline_lowered:
0x8: {  	[smem:$0x3FAA] =	sst s0  }
0x9: {  	[smem:$0x3FAB] =	sst s1  }
0xa: {  	[smem:$0x3FAC] =	sst s2  }
0xb: {  	[smem:$0x3FAD] =	sst s3  }
0xc: {  	[smem:$0x3FAE] =	sst s4  }
0xd: {  	[smem:$0x3FAF] =	sst s5  }
0xe: {  	[smem:$0x3FB0] =	sst s6  }
0xf: {  	[smem:$0x3FB1] =	sst s7  }
0x10: {  	[smem:$0x3FB2] =	sst s8  }
0x11: {  	[smem:$0x3FB3] =	sst s9;
	s0 =	simm.s32 @!p0 $0x0  }
0x12: {  	s1 =	sld [smem:$0x3F99];
	s0 =	simm.s32 @p0 $0x1  }
0x13: {  	[smem:$0x3FB4] =	sst s0;
	s0 =	simm.s32 @!p1 $0x0  }
0x14: {  	s2 =	sld [smem:$0x3F98];
	s0 =	simm.s32 @p1 $0x1  }
0x15: {  	[smem:$0x3FB5] =	sst s0;
	s0 =	simm.s32 @!p2 $0x0  }
0x16: {  	s3 =	sld [smem:$0x3FDB];
	s0 =	simm.s32 @p2 $0x1  }
0x17: {  	s4 =	simm.s32 $0x1BF5;
	[smem:$0x3FB7] =	sst s0  }
0x18: {  	s0 =	sld [smem:$0x3F9A];
	_ =	swait.ge [sflag:s4], $0x0  }
0x19: {  	s7 =	sld [smem:$0x3F9B]  }
0x1a: {  	s8 =	sadd.s32 $0xFFFFE003, lr  }
0x1b: {  	s9 =	sadd.s32 $0xFFFFFEF7, lr;
	s5 =	simm.s32 $0xFFFFFFFF;
	p2 =	slt.u32 s8, $0xFFFFF086  }
0x1c: {  	p1 =	slt.u32 s9, $0xF7A;
	s5 =	simm.s32 @!p2 $0x0  }
0x1d: {  	s5 =	simm.s32 @p1 $0x1;
	p0 =	seq.s32 s7, s2  }
0x1e: {  	s7 =	smul.u32 @!p0 $0xF7A, s2;
	p2 =	seq.s32 @!p0 s5, $0x0  }
0x1f: {  	s9 =	smul.u32 $0xF7A, s1;
	s8 =	simm.s32 @!p0 $0x1BF5;
	p2 =	por !p2, p0  }
0x20: {  	[sflag:s8] =	ssyncset.s32 @!p0 $0xFFFFF086;
	s6 =	sadd.s32 @!p0 s3, s7;
	s7 =	simm.s32 @!p0 $0x108  }
0x21: {  	s3 =	sadd.s32 s3, s9;
	s6 =	sadd.s32 @!p0 $0x88, s6;
	s7 =	simm.s32 @p2 $0x1082  }
0x22: {  	[simem:s7], [sflag:s8] =	dma.local @!p0 [hbm:s6], $0xF7A  }
0x23: {  	s9 =	sor.u32 $0xD0000000, s2;
	s6 =	simm.s32 $0x108;
	_ =	swait.ge @!p0 [sflag:s8], $0x0  }
0x24: {  	s3 =	sadd.s32 $0x88, s3;
	s6 =	simm.s32 @!p1 $0x1082;
	[sflag:s4] =	ssyncset.s32 $0xFFFFF086  }
0x25: {  	[simem:s6], [sflag:s4] =	dma.local [hbm:s3], $0xF7A  }
0x26: {  	[smem:$0x3F9B] =	sst s1;
	(tag) =	ssettag s2;
	_ =	strace s9  }
0x27: {  	s1 =	sld [smem:$0x3FAB]  }
0x28: {  	s2 =	sld [smem:$0x3FAC]  }
0x29: {  	s4 =	sld [smem:$0x3FAE]  }
0x2a: {  	p0 =	seq.s32 s5, $0x0;
	s5 =	sld [smem:$0x3FAF]  }
0x2b: {  	s6 =	sld [smem:$0x3FB0]  }
0x2c: {  	s7 =	sld [smem:$0x3FB1]  }
0x2d: {  	s3 =	simm.s32 $0x108;
	s8 =	sld [smem:$0x3FB2]  }
0x2e: {  	s3 =	simm.s32 @!p0 $0x1082;
	s9 =	sld [smem:$0x3FB3]  }
0x2f: {  	lr =	sadd.s32 s0, s3;
	s0 =	sld [smem:$0x3FAA]  }
0x30: {  	s3 =	sld [smem:$0x3FAD]  }
0x31: {  	[smem:$0x3FB6] =	sst s10  }
0x32: {  	s10 =	sld [smem:$0x3FB4];
	_ =	sdelay $0x3  }
0x33: {  	p0 =	seq.s32 s10, $0x1;
	s10 =	sld [smem:$0x3FB6];
	_ =	sdelay $0x3  }
0x34: {  	[smem:$0x3FB6] =	sst s10  }
0x35: {  	s10 =	sld [smem:$0x3FB5];
	_ =	sdelay $0x3  }
0x36: {  	p1 =	seq.s32 s10, $0x1;
	s10 =	sld [smem:$0x3FB6];
	_ =	sdelay $0x3  }
0x37: {  	[smem:$0x3FB6] =	sst s10  }
0x38: {  	s10 =	sld [smem:$0x3FB7]  }
0x39: {  	_ = 	snop;
	(pc) =	sbr.ind lr, $3  }
0x3a: {  	_ = 	snop  }
0x3b: {  	_ = 	snop  }
0x3c: {  	p2 =	seq.s32 s10, $0x1;
	s10 =	sld [smem:$0x3FB6]  }
0x3d: {  	_ =	shalt  }
0x3e: {  	_ =	shalt  }
0x3f: {  	_ =	shalt  }
0x40: {  	_ =	shalt  }
0x41: {  	_ =	shalt  }
0x42: {  	_ =	shalt  }
0x43: {  	_ =	shalt  }
0x44: {  	_ =	shalt  }
0x45: {  	_ =	shalt  }
0x46: {  	_ =	shalt  }
0x47: {  	_ =	shalt  }
0x48: {  	_ =	shalt  }
0x49: {  	_ =	shalt  }
0x4a: {  	_ =	shalt  }
0x4b: {  	_ =	shalt  }
0x4c: {  	_ =	shalt  }
0x4d: {  	_ =	shalt  }
0x4e: {  	_ =	shalt  }
0x4f: {  	_ =	shalt  }
0x50: {  	_ =	shalt  }
0x51: {  	_ =	shalt  }
0x52: {  	_ =	shalt  }
0x53: {  	_ =	shalt  }
0x54: {  	_ =	shalt  }
0x55: {  	_ =	shalt  }
0x56: {  	_ =	shalt  }
0x57: {  	_ =	shalt  }
0x58: {  	_ =	shalt  }
0x59: {  	_ =	shalt  }
0x5a: {  	_ =	shalt  }
0x5b: {  	_ =	shalt  }
0x5c: {  	_ =	shalt  }
0x5d: {  	_ =	shalt  }
0x5e: {  	_ =	shalt  }
0x5f: {  	_ =	shalt  }
0x60: {  	_ =	shalt  }
0x61: {  	_ =	shalt  }
0x62: {  	_ =	shalt  }
0x63: {  	_ =	shalt  }
0x64: {  	_ =	shalt  }
0x65: {  	_ =	shalt  }
0x66: {  	_ =	shalt  }
0x67: {  	_ =	shalt  }
0x68: {  	_ =	shalt  }
0x69: {  	_ =	shalt  }
0x6a: {  	_ =	shalt  }
0x6b: {  	_ =	shalt  }
0x6c: {  	_ =	shalt  }
0x6d: {  	_ =	shalt  }
0x6e: {  	_ =	shalt  }
0x6f: {  	_ =	shalt  }
0x70: {  	_ =	shalt  }
0x71: {  	_ =	shalt  }
0x72: {  	_ =	shalt  }
0x73: {  	_ =	shalt  }
0x74: {  	_ =	shalt  }
0x75: {  	_ =	shalt  }
0x76: {  	_ =	shalt  }
0x77: {  	_ =	shalt  }
0x78: {  	_ =	shalt  }
0x79: {  	_ =	shalt  }
0x7a: {  	_ =	shalt  }
0x7b: {  	_ =	shalt  }
0x7c: {  	_ =	shalt  }
0x7d: {  	_ =	shalt  }
0x7e: {  	_ =	shalt  }
0x7f: {  	_ =	shalt  }
0x80: {  	_ =	shalt  }
0x81: {  	_ =	shalt  }
0x82: {  	_ =	shalt  }
0x83: {  	_ =	shalt  }
0x84: {  	_ =	shalt  }
0x85: {  	_ =	shalt  }
0x86: {  	_ =	shalt  }
0x87: {  	_ =	shalt  }
.Lfunc_end0:
.L_simem_size_0:
called_computation.1_lowered:
.L_overlay_start_0:
0x88: {  	s2 =	sld [smem:$0x3FD9]  }
0x89: {  	s3 =	sld [smem:$0x3FFE];
	_ =	sdelay $0x1  }
0x8a: {  	s1 =	srdreg.scid  }
0x8b: {  	s0 =	sand.u32 $0x1, s1  }
0x8c: {  	s14 =	sshll.u32 s0, $0xA;
	s2 =	sadd.s32 s3, s2  }
0x8d: {  	s2 =	sadd.s32 s2, s14  }
0x8e: {  	[smem:$0x3FC2] =	sst s2  }
0x8f: {  	_ = 	snop  }
0x90: {  	s2 =	sld [smem:$0x3FD0];
	_ =	sdelay $0x2  }
0x91: {  	s4 =	simm.s32 $0xB;
	s5 =	simm.s32 $0x10;
	s15 =	sld [smem:$0x3FC9]  }
0x92: {  	[smem:s5], [sflag:s4] =	dma.local [hbm:s2], $0x1  }
0x93: {  	_ =	swait.eq [sflag:s4], $0x1  }
0x94: {  	[sflag:s4] =	ssyncset.done $0x0  }
0x95: {  	[sflag:s4] =	ssyncadd.s32 $0xFFFFFFFF  }
0x96: {  	s16 =	sld [smem:$0x12];
	(tm) =	ssettm $0x1  }
0x97: {  	s17 =	sld [smem:$0x3FFB];
	_ =	sdelay $0x3  }
0x98: {  	_ =	strace s17  }
0x99: {  	s4 =	sld [smem:$0x3FFC];
	_ =	sdelay $0x3  }
0x9a: {  	_ =	strace s4  }
0x9b: {  	s4 =	sld [smem:$0x3FFD];
	_ =	sdelay $0x3  }
0x9c: {  	_ =	strace s4  }
0x9d: {  	_ =	strace $0x8FFFFFFF  }
0x9e: {  	s18 =	sld [smem:$0x3FDB];
	_ =	sdelay $0x1  }
0x9f: {  	s19 =	simm.s32 $_scs_section_size  }
0xa0: {  	s6 =	simm.s32 $_size__tile_overlayer_lowered;
	s7 =	simm.s32 $_tile_overlayer_lowered  }
0xa1: {  	s22 =	simm.s32 $0x1BFF;
	s21 =	sshll.u32 s7, $0x1;
	s4 =	sadd.s32 s19, s18  }
0xa2: {  	s8 =	simm.s32 $0x0;
	s20 =	sshll.u32 s6, $0x1;
	s6 =	sadd.s32 s21, s4  }
0xa3: {  	[timem:s8], [sflag:s22] =	dma.local [hbm:s6], s20  }
0xa4: {  	_ =	swait.ge [sflag:s22], s20  }
0xa5: {  	s5 =	ssub.s32 $0x0, s20;
	[sflag:s22] =	ssyncset.done $0x0  }
0xa6: {  	[sflag:s22] =	ssyncadd.s32 s5;
	_ =	sdelay $0x1  }
0xa7: {  	s23 =	simm.s32 $0x1B8B  }
0xa8: {  	_ =	swait.ge [sflag:s23], $0x1  }
0xa9: {  	[sflag:s23] =	ssyncset.done $0x0  }
0xaa: {  	s25 =	simm.s32 $0x1B8E;
	s24 =	sld [smem:$0x3FFE];
	[sflag:s23] =	ssyncadd.s32 $0xFFFFFFFF  }
0xab: {  	s26 =	simm.s32 $execute0_lowered;
	[smem:$0x3FD2] =	sst s25  }
0xac: {  	s6 =	sshll.u32 s26, $0x1;
	_ =	strace $0x80000049;
	[dreg:$0x1] =	wrdreg $0xFFFFFFFF  }
0xad: {  	s28 =	simm.s32 $_size_execute0_lowered;
	s4 =	sadd.s32 s4, s6;
	[dreg:$0x0] =	wrdreg $0x0  }
0xae: {  	s6 =	sshll.u32 s28, $0x1;
	[dreg:$0x2] =	wrdreg s4  }
0xaf: {  	[dreg:$0x3] =	wrdreg s6  }
0xb0: {  	[dreg:$0x4] =	wrdreg $0xC0  }
0xb1: {  	_ =	task [dreg:s8], $0x5FFFF  }
0xb2: {  	[dreg:$0x1] =	wrdreg $0xFFFFFFFF  }
0xb3: {  	[dreg:$0x0] =	wrdreg $0x60  }
0xb4: {  	[dreg:$0x2] =	wrdreg s15  }
0xb5: {  	[dreg:$0x3] =	wrdreg s16  }
0xb6: {  	[dreg:$0x4] =	wrdreg s24  }
0xb7: {  	[dreg:$0x5] =	wrdreg $0x9  }
0xb8: {  	_ =	task.clear_ibuf [dreg:s8], $0x6FFFF;
	_ =	strace $0x90000049  }
0xb9: {  	s29 =	simm.s32 $0x9;
	_ =	strace $0x8000004B  }
0xba: {  	_ =	swait.ge [sflag:s29], $0x1  }
0xbb: {  	[sflag:s29] =	ssyncadd.s32 $0xFFFFFFFF  }
0xbc: {  	_ =	strace $0x9000004B  }
0xbd: {  	_ =	sfence  }
0xbe: {  	s30 =	sld [smem:$0x0];
	_ =	sdelay $0x2  }
0xbf: {  	s31 =	sshll.u32 s1, $0xD;
	s1 =	sshrl.u32 s1, $0x2  }
0xc0: {  	s3 =	sand.u32 $0x4000, s31;
	s1 =	sadd.s32 s1, s30  }
0xc1: {  	s0 =	sor.u32 s3, s0;
	s1 =	sshll.u32 s1, $0x11  }
0xc2: {  	s0 =	sor.u32 s1, s0  }
0xc3: {  	s0 =	sadd.s32 $0x8F2B, s0  }
0xc4: {  	[sflag:s0] =	ssyncadd.remote.s32 $0x1  }
0xc5: {  	_ =	sfence.sel $0xFFFF  }
0xc6: {  	[dreg:$0x0] =	wrdreg $0xFFFFFFFF;
	(pc) =	sbr.abs _section_cstart, $3  }
0xc7: {  	[dreg:$0x1] =	wrdreg $0xFFFFFFFF  }
0xc8: {  	_ =	task.clear_ibuf [dreg:s8], $0x2FFFF;
	_ =	strace $0x9FFFFFFF  }
0xc9: {  	(tm) =	ssettm $0x7FFFFFFF  }
tec
execute0_lowered:
.L_overlay_start_1:
0x0: {  	(tag) =	ssettag $0x1  }
0x1: {  	s1 =	rddreg [dreg:$0x0]  }
0x2: {  	s0 =	srdreg.scid;
	s2 =	rddreg [dreg:$0x1]  }
0x3: {  	s7 =	stileid.u32;
	s4 =	rddreg [dreg:$0x2]  }
0x4: {  	s3 =	simm.s32 $0x0;
	s12 =	simm.s32 $0x880;
	s14 =	simm.s32 $0x1080  }
0x5: {  	s16 =	simm.s32 $0x1880;
	s17 =	simm.s32 $0x2080;
	s18 =	simm.s32 $0x2880  }
0x6: {  	s20 =	simm.s32 $0x3080;
	s8 =	simm.s32 $0x3880;
	s9 =	simm.s32 $0x4080  }
0x7: {  	s10 =	simm.s32 $0x4880;
	s11 =	simm.s32 $0x5080;
	[smem:$0x7FF] =	sst s3  }
0x8: {  	s21 =	simm.s32 $0x9880;
	_ =	strace $0x8000004A;
	[dreg:$0x5] =	wrdreg s12  }
0x9: {  	s22 =	simm.s32 $0xA080;
	s23 =	simm.s32 $0xA880;
	[dreg:$0x6] =	wrdreg s14  }
0xa: {  	s24 =	simm.s32 $0xB080;
	s25 =	simm.s32 $0xB880;
	[dreg:$0x7] =	wrdreg s16  }
0xb: {  	s28 =	simm.s32 $0xF080;
	s29 =	simm.s32 $0xF880;
	[dreg:$0x8] =	wrdreg s17  }
0xc: {  	s30 =	simm.s32 $0x1;
	s0 =	sand.u32 $0x1, s0;
	[dreg:$0x9] =	wrdreg s18  }
0xd: {  	s5 =	sshll.u32 s7, $0x7;
	s26 =	sshll.u32 s7, $0x10;
	[dreg:$0xa] =	wrdreg s20  }
0xe: {  	s7 =	sadd.s32 $0x400, s1;
	s6 =	sshll.u32 s0, $0x6;
	[dreg:$0xb] =	wrdreg s8  }
0xf: {  	s31 =	sadd.s32 s26, s4;
	s13 =	ssub.s32 $0x2, s0;
	[dreg:$0xc] =	wrdreg s9  }
0x10: {  	s4 =	sadd.s32 $0x100, s1;
	s8 =	sadd.s32 $0x500, s1;
	[dreg:$0xd] =	wrdreg s10  }
0x11: {  	s9 =	sadd.s32 $0x600, s1;
	s10 =	sadd.s32 $0x700, s1;
	[dreg:$0xe] =	wrdreg s11  }
0x12: {  	s12 =	simm.s32 $0x5880;
	s11 =	sadd.s32 $0x800, s1;
	[dreg:$0x17] =	wrdreg s21  }
0x13: {  	s14 =	simm.s32 $0x6880;
	s16 =	simm.s32 $0x7880;
	[dreg:$0x18] =	wrdreg s22  }
0x14: {  	s17 =	simm.s32 $0x8080;
	s18 =	simm.s32 $0x8880;
	[dreg:$0x19] =	wrdreg s23  }
0x15: {  	s20 =	simm.s32 $0x9080;
	s0 =	sshll.u32 s0, $0xF;
	[dreg:$0x1a] =	wrdreg s24  }
0x16: {  	s21 =	simm.s32 $0x2;
	[dreg:$0x1b] =	wrdreg s25;
	s26 =	simm.s32 $0xC080  }
0x17: {  	s22 =	simm.s32 $0x80;
	s23 =	simm.s32 $0xD080;
	[dreg:$0xf] =	wrdreg s12  }
0x18: {  	s24 =	simm.s32 $0xD880;
	s25 =	simm.s32 $0xE080;
	[dreg:$0x11] =	wrdreg s14  }
0x19: {  	s5 =	sor.u32 s6, s5;
	s15 =	sshrl.u32 s13, $0x1;
	[dreg:$0x13] =	wrdreg s16  }
0x1a: {  	s6 =	sadd.s32 $0x300, s1;
	s12 =	sadd.s32 $0x900, s1;
	[dreg:$0x14] =	wrdreg s17  }
0x1b: {  	s14 =	sadd.s32 $0xB00, s1;
	s16 =	sadd.s32 $0xD00, s1;
	[dreg:$0x15] =	wrdreg s18  }
0x1c: {  	s17 =	sadd.s32 $0xE00, s1;
	s18 =	sadd.s32 $0xF00, s1;
	[dreg:$0x16] =	wrdreg s20  }
0x1d: {  	s0 =	sadd.s32 s0, s31;
	[dreg:$0x1c] =	wrdreg s26;
	s31 =	simm.s32 $0xC880  }
0x1e: {  	s19 =	ssub.s32 s13, s15;
	s13 =	simm.s32 $0x6080;
	[dreg:$0x1d] =	wrdreg s31  }
0x1f: {  	s26 =	simm.s32 $0xE880;
	s15 =	simm.s32 $0x7080;
	[dreg:$0x10] =	wrdreg s13  }
0x20: {  	s5 =	sshrl.u32 s5, $0x3;
	s0 =	sadd.s32 $0x1A00, s0;
	[dreg:$0x12] =	wrdreg s15  }
0x21: {  	v2 =	vlaneseq.u32;
	s5 =	sadd.s32 s5, s2;
	s13 =	sadd.s32 $0xA00, s1;
	[dreg:$0x1f] =	wrdreg s0  }
0x22: {  	vm0 =	vmmov $0xffff;
	v1 =	vshrl.u32 v2, $0x3;
	s15 =	sadd.s32 $0xC00, s1;
	s19 =	smax.u32 s19, $0x1;
	[dreg:$0x4] =	wrdreg s5  }
0x23: {  	v0 =	vand.u32 $0x7, v2;
	v2 =	vor.u32 $0x8, v2;
	v1 =	vmul.u32 $0x8, v1;
	s2 =	simm.s32 $0x0;
	s5 =	sadd.s32 $0x200, s1;
	[dreg:$0x1e] =	wrdreg s19  }
.LBB2_1:
0x24: {  	s0 =	rddreg [dreg:$0x4]  }
0x25: {  	[smem:$0x7FD] =	sst s2;
	s0 =	sadd.s32 $0x0, s0  }
0x26: {  	[tilespmem:s3], [sflag:$0x2] =	stream.linear.gather [hbm4b:s0+s3], $0x10, $0x38;
	[tilespmem:$0x10080] =	vst v63  }
0x27: {  	_ =	swait.ge [sflag:s21], $0x10  }
0x28: {  	[sflag:s21] =	ssyncset.done $0x0  }
0x29: {  	[sflag:s21] =	ssyncadd.s32 $0xFFFFFFF0  }
0x2a: {  	v3 =	vld [tilespmem:$0x0];
	_ =	sdelay $0x4  }
0x2b: {  	v4 =	vshll.u32 v3, $0x5  }
0x2c: {  	v3 =	vand.u32 $0x7, v3;
	v4 =	vand.u32 $0xFFFFFF00, v4  }
0x2d: {  	v3 =	vor.u32 v3, v4  }
0x2e: {  	v4 =	vperm.xlane v3, v0;
	_ =	sdelay $0x1  }
0x2f: {  	v4 =	vadd.s32 v1, v4;
	_ =	sdelay $0x4  }
0x30: {  	[tilespmem:s22], [sflag:$0x1] =	stream.indirect_vreg.gather [hbm4b:s1+s3], $0x80, v4, vm0, $0xb8;
	[tilespmem:$0x10080] =	vst v63  }
0x31: {  	s2 =	rddreg [dreg:$0x5]  }
0x32: {  	[tilespmem:s2], [sflag:$0x1] =	stream.indirect_vreg.gather [hbm4b:s4+s3], $0x80, v4, vm0, $0xb8;
	[tilespmem:$0x10080] =	vst v63  }
0x33: {  	s19 =	rddreg [dreg:$0x6]  }
0x34: {  	[tilespmem:s19], [sflag:$0x1] =	stream.indirect_vreg.gather [hbm4b:s5+s3], $0x80, v4, vm0, $0xb8;
	[tilespmem:$0x10080] =	vst v63  }
0x35: {  	s20 =	rddreg [dreg:$0x7]  }
0x36: {  	[tilespmem:s20], [sflag:$0x1] =	stream.indirect_vreg.gather [hbm4b:s6+s3], $0x80, v4, vm0, $0xb8;
	[tilespmem:$0x10080] =	vst v63  }
0x37: {  	s31 =	rddreg [dreg:$0x8]  }
0x38: {  	[tilespmem:s31], [sflag:$0x1] =	stream.indirect_vreg.gather [hbm4b:s7+s3], $0x80, v4, vm0, $0xb8;
	[tilespmem:$0x10080] =	vst v63  }
0x39: {  	s19 =	rddreg [dreg:$0x9]  }
0x3a: {  	[tilespmem:s19], [sflag:$0x1] =	stream.indirect_vreg.gather [hbm4b:s8+s3], $0x80, v4, vm0, $0xb8;
	[tilespmem:$0x10080] =	vst v63  }
0x3b: {  	s20 =	rddreg [dreg:$0xa]  }
0x3c: {  	[tilespmem:s20], [sflag:$0x1] =	stream.indirect_vreg.gather [hbm4b:s9+s3], $0x80, v4, vm0, $0xb8;
	[tilespmem:$0x10080] =	vst v63  }
0x3d: {  	s31 =	rddreg [dreg:$0xb]  }
0x3e: {  	[tilespmem:s31], [sflag:$0x1] =	stream.indirect_vreg.gather [hbm4b:s10+s3], $0x80, v4, vm0, $0xb8;
	[tilespmem:$0x10080] =	vst v63  }
0x3f: {  	s19 =	rddreg [dreg:$0xc]  }
0x40: {  	[tilespmem:s19], [sflag:$0x1] =	stream.indirect_vreg.gather [hbm4b:s11+s3], $0x80, v4, vm0, $0xb8;
	[tilespmem:$0x10080] =	vst v63  }
0x41: {  	s20 =	rddreg [dreg:$0xd]  }
0x42: {  	[tilespmem:s20], [sflag:$0x1] =	stream.indirect_vreg.gather [hbm4b:s12+s3], $0x80, v4, vm0, $0xb8;
	[tilespmem:$0x10080] =	vst v63  }
0x43: {  	s31 =	rddreg [dreg:$0xe]  }
0x44: {  	[tilespmem:s31], [sflag:$0x1] =	stream.indirect_vreg.gather [hbm4b:s13+s3], $0x80, v4, vm0, $0xb8;
	[tilespmem:$0x10080] =	vst v63  }
0x45: {  	s19 =	rddreg [dreg:$0xf]  }
0x46: {  	[tilespmem:s19], [sflag:$0x1] =	stream.indirect_vreg.gather [hbm4b:s14+s3], $0x80, v4, vm0, $0xb8;
	[tilespmem:$0x10080] =	vst v63  }
0x47: {  	s20 =	rddreg [dreg:$0x10]  }
0x48: {  	[tilespmem:s20], [sflag:$0x1] =	stream.indirect_vreg.gather [hbm4b:s15+s3], $0x80, v4, vm0, $0xb8;
	[tilespmem:$0x10080] =	vst v63  }
0x49: {  	v3 =	vperm.xlane v3, v2;
	s31 =	rddreg [dreg:$0x11]  }
0x4a: {  	[tilespmem:s31], [sflag:$0x1] =	stream.indirect_vreg.gather [hbm4b:s16+s3], $0x80, v4, vm0, $0xb8;
	[tilespmem:$0x10080] =	vst v63  }
0x4b: {  	v3 =	vadd.s32 v1, v3;
	s19 =	rddreg [dreg:$0x12]  }
0x4c: {  	[tilespmem:s19], [sflag:$0x1] =	stream.indirect_vreg.gather [hbm4b:s17+s3], $0x80, v4, vm0, $0xb8;
	[tilespmem:$0x10080] =	vst v63  }
0x4d: {  	s20 =	rddreg [dreg:$0x13]  }
0x4e: {  	[tilespmem:s20], [sflag:$0x1] =	stream.indirect_vreg.gather [hbm4b:s18+s3], $0x80, v4, vm0, $0xb8;
	[tilespmem:$0x10080] =	vst v63  }
0x4f: {  	s31 =	rddreg [dreg:$0x14]  }
0x50: {  	[tilespmem:s31], [sflag:$0x1] =	stream.indirect_vreg.gather [hbm4b:s1+s3], $0x80, v3, vm0, $0xb8;
	[tilespmem:$0x10080] =	vst v63  }
0x51: {  	s19 =	rddreg [dreg:$0x15]  }
0x52: {  	[tilespmem:s19], [sflag:$0x1] =	stream.indirect_vreg.gather [hbm4b:s4+s3], $0x80, v3, vm0, $0xb8;
	[tilespmem:$0x10080] =	vst v63  }
0x53: {  	s20 =	rddreg [dreg:$0x16]  }
0x54: {  	[tilespmem:s20], [sflag:$0x1] =	stream.indirect_vreg.gather [hbm4b:s5+s3], $0x80, v3, vm0, $0xb8;
	[tilespmem:$0x10080] =	vst v63  }
0x55: {  	s31 =	rddreg [dreg:$0x17]  }
0x56: {  	[tilespmem:s31], [sflag:$0x1] =	stream.indirect_vreg.gather [hbm4b:s6+s3], $0x80, v3, vm0, $0xb8;
	[tilespmem:$0x10080] =	vst v63  }
0x57: {  	s19 =	rddreg [dreg:$0x18]  }
0x58: {  	[tilespmem:s19], [sflag:$0x1] =	stream.indirect_vreg.gather [hbm4b:s7+s3], $0x80, v3, vm0, $0xb8;
	[tilespmem:$0x10080] =	vst v63  }
0x59: {  	s20 =	rddreg [dreg:$0x19]  }
0x5a: {  	[tilespmem:s20], [sflag:$0x1] =	stream.indirect_vreg.gather [hbm4b:s8+s3], $0x80, v3, vm0, $0xb8;
	[tilespmem:$0x10080] =	vst v63  }
0x5b: {  	s31 =	rddreg [dreg:$0x1a]  }
0x5c: {  	[tilespmem:s31], [sflag:$0x1] =	stream.indirect_vreg.gather [hbm4b:s9+s3], $0x80, v3, vm0, $0xb8;
	[tilespmem:$0x10080] =	vst v63  }
0x5d: {  	s19 =	rddreg [dreg:$0x1b]  }
0x5e: {  	[tilespmem:s19], [sflag:$0x1] =	stream.indirect_vreg.gather [hbm4b:s10+s3], $0x80, v3, vm0, $0xb8;
	[tilespmem:$0x10080] =	vst v63  }
0x5f: {  	s20 =	rddreg [dreg:$0x1c]  }
0x60: {  	[tilespmem:s20], [sflag:$0x1] =	stream.indirect_vreg.gather [hbm4b:s11+s3], $0x80, v3, vm0, $0xb8;
	[tilespmem:$0x10080] =	vst v63  }
0x61: {  	s31 =	rddreg [dreg:$0x1d]  }
0x62: {  	[tilespmem:s31], [sflag:$0x1] =	stream.indirect_vreg.gather [hbm4b:s12+s3], $0x80, v3, vm0, $0xb8;
	[tilespmem:$0x10080] =	vst v63  }
0x63: {  	_ = 	snop  }
0x64: {  	[tilespmem:s23], [sflag:$0x1] =	stream.indirect_vreg.gather [hbm4b:s13+s3], $0x80, v3, vm0, $0xb8;
	[tilespmem:$0x10080] =	vst v63  }
0x65: {  	_ = 	snop  }
0x66: {  	[tilespmem:s24], [sflag:$0x1] =	stream.indirect_vreg.gather [hbm4b:s14+s3], $0x80, v3, vm0, $0xb8;
	[tilespmem:$0x10080] =	vst v63  }
0x67: {  	_ = 	snop  }
0x68: {  	[tilespmem:s25], [sflag:$0x1] =	stream.indirect_vreg.gather [hbm4b:s15+s3], $0x80, v3, vm0, $0xb8;
	[tilespmem:$0x10080] =	vst v63  }
0x69: {  	_ = 	snop  }
0x6a: {  	[tilespmem:s26], [sflag:$0x1] =	stream.indirect_vreg.gather [hbm4b:s16+s3], $0x80, v3, vm0, $0xb8;
	[tilespmem:$0x10080] =	vst v63  }
0x6b: {  	_ = 	snop  }
0x6c: {  	[tilespmem:s28], [sflag:$0x1] =	stream.indirect_vreg.gather [hbm4b:s17+s3], $0x80, v3, vm0, $0xb8;
	[tilespmem:$0x10080] =	vst v63  }
0x6d: {  	_ = 	snop  }
0x6e: {  	[tilespmem:s29], [sflag:$0x1] =	stream.indirect_vreg.gather [hbm4b:s18+s3], $0x80, v3, vm0, $0xb8;
	[tilespmem:$0x10080] =	vst v63  }
0x6f: {  	_ =	swait.ge [sflag:s30], $0x10000  }
0x70: {  	[sflag:s30] =	ssyncset.done $0x0  }
0x71: {  	s20 =	rddreg [dreg:$0x1f];
	[sflag:s30] =	ssyncadd.s32 $0xFFFF0000  }
0x72: {  	[hbm4b:s20+s3] =	stream.linear.scatter [tilespmem:s22], [sflag:$0x2], $0x10000, $0x38;
	[tilespmem:$0x10080] =	vst v63  }
0x73: {  	s0 =	simm.s32 $0x2;
	_ =	swait.ge [sflag:s21], $0x10000  }
0x74: {  	s19 =	simm.s32 $0x4;
	s2 =	rddreg [dreg:$0x4];
	[sflag:s21] =	ssyncset.done $0x0  }
.LBB2_2:
0x75: {  	[sflag:s21] =	ssyncadd.s32 $0xFFFF0000;
	s2 =	sadd.s32 s0, s2  }
0x76: {  	[tilespmem:s3], [sflag:$0x2] =	stream.linear.gather [hbm4b:s2+s3], $0x10, $0x38;
	[tilespmem:$0x10080] =	vst v63  }
0x77: {  	_ =	swait.ge [sflag:s21], $0x10  }
0x78: {  	[sflag:s21] =	ssyncset.done $0x0  }
0x79: {  	[sflag:s21] =	ssyncadd.s32 $0xFFFFFFF0  }
0x7a: {  	v3 =	vld [tilespmem:$0x0];
	_ =	sdelay $0x4  }
0x7b: {  	v4 =	vshll.u32 v3, $0x5  }
0x7c: {  	v3 =	vand.u32 $0x7, v3;
	v4 =	vand.u32 $0xFFFFFF00, v4  }
0x7d: {  	v3 =	vor.u32 v3, v4  }
0x7e: {  	v4 =	vperm.xlane v3, v0;
	_ =	sdelay $0x1  }
0x7f: {  	v4 =	vadd.s32 v1, v4;
	_ =	sdelay $0x4  }
0x80: {  	[tilespmem:s22], [sflag:$0x1] =	stream.indirect_vreg.gather [hbm4b:s1+s3], $0x80, v4, vm0, $0xb8;
	[tilespmem:$0x10080] =	vst v63  }
0x81: {  	s31 =	smov.u32 s19;
	s2 =	rddreg [dreg:$0x5]  }
0x82: {  	[tilespmem:s2], [sflag:$0x1] =	stream.indirect_vreg.gather [hbm4b:s4+s3], $0x80, v4, vm0, $0xb8;
	[tilespmem:$0x10080] =	vst v63  }
0x83: {  	s0 =	smov.u32 s31;
	s31 =	rddreg [dreg:$0x6]  }
0x84: {  	[tilespmem:s31], [sflag:$0x1] =	stream.indirect_vreg.gather [hbm4b:s5+s3], $0x80, v4, vm0, $0xb8;
	[tilespmem:$0x10080] =	vst v63  }
0x85: {  	s2 =	rddreg [dreg:$0x7]  }
0x86: {  	[tilespmem:s2], [sflag:$0x1] =	stream.indirect_vreg.gather [hbm4b:s6+s3], $0x80, v4, vm0, $0xb8;
	[tilespmem:$0x10080] =	vst v63  }
0x87: {  	s31 =	rddreg [dreg:$0x8]  }
0x88: {  	[tilespmem:s31], [sflag:$0x1] =	stream.indirect_vreg.gather [hbm4b:s7+s3], $0x80, v4, vm0, $0xb8;
	[tilespmem:$0x10080] =	vst v63  }
0x89: {  	s2 =	rddreg [dreg:$0x9]  }
0x8a: {  	[tilespmem:s2], [sflag:$0x1] =	stream.indirect_vreg.gather [hbm4b:s8+s3], $0x80, v4, vm0, $0xb8;
	[tilespmem:$0x10080] =	vst v63  }
0x8b: {  	s31 =	rddreg [dreg:$0xa]  }
0x8c: {  	[tilespmem:s31], [sflag:$0x1] =	stream.indirect_vreg.gather [hbm4b:s9+s3], $0x80, v4, vm0, $0xb8;
	[tilespmem:$0x10080] =	vst v63  }
0x8d: {  	s2 =	rddreg [dreg:$0xb]  }
0x8e: {  	[tilespmem:s2], [sflag:$0x1] =	stream.indirect_vreg.gather [hbm4b:s10+s3], $0x80, v4, vm0, $0xb8;
	[tilespmem:$0x10080] =	vst v63  }
0x8f: {  	s31 =	rddreg [dreg:$0xc]  }
0x90: {  	[tilespmem:s31], [sflag:$0x1] =	stream.indirect_vreg.gather [hbm4b:s11+s3], $0x80, v4, vm0, $0xb8;
	[tilespmem:$0x10080] =	vst v63  }
0x91: {  	s2 =	rddreg [dreg:$0xd]  }
0x92: {  	[tilespmem:s2], [sflag:$0x1] =	stream.indirect_vreg.gather [hbm4b:s12+s3], $0x80, v4, vm0, $0xb8;
	[tilespmem:$0x10080] =	vst v63  }
0x93: {  	s31 =	rddreg [dreg:$0xe]  }
0x94: {  	[tilespmem:s31], [sflag:$0x1] =	stream.indirect_vreg.gather [hbm4b:s13+s3], $0x80, v4, vm0, $0xb8;
	[tilespmem:$0x10080] =	vst v63  }
0x95: {  	s2 =	rddreg [dreg:$0xf]  }
0x96: {  	[tilespmem:s2], [sflag:$0x1] =	stream.indirect_vreg.gather [hbm4b:s14+s3], $0x80, v4, vm0, $0xb8;
	[tilespmem:$0x10080] =	vst v63  }
0x97: {  	s31 =	rddreg [dreg:$0x10]  }
0x98: {  	[tilespmem:s31], [sflag:$0x1] =	stream.indirect_vreg.gather [hbm4b:s15+s3], $0x80, v4, vm0, $0xb8;
	[tilespmem:$0x10080] =	vst v63  }
0x99: {  	v3 =	vperm.xlane v3, v2;
	s2 =	rddreg [dreg:$0x11]  }
0x9a: {  	[tilespmem:s2], [sflag:$0x1] =	stream.indirect_vreg.gather [hbm4b:s16+s3], $0x80, v4, vm0, $0xb8;
	[tilespmem:$0x10080] =	vst v63  }
0x9b: {  	v3 =	vadd.s32 v1, v3;
	s31 =	rddreg [dreg:$0x12]  }
0x9c: {  	[tilespmem:s31], [sflag:$0x1] =	stream.indirect_vreg.gather [hbm4b:s17+s3], $0x80, v4, vm0, $0xb8;
	[tilespmem:$0x10080] =	vst v63  }
0x9d: {  	s2 =	rddreg [dreg:$0x13]  }
0x9e: {  	[tilespmem:s2], [sflag:$0x1] =	stream.indirect_vreg.gather [hbm4b:s18+s3], $0x80, v4, vm0, $0xb8;
	[tilespmem:$0x10080] =	vst v63  }
0x9f: {  	s31 =	rddreg [dreg:$0x14]  }
0xa0: {  	[tilespmem:s31], [sflag:$0x1] =	stream.indirect_vreg.gather [hbm4b:s1+s3], $0x80, v3, vm0, $0xb8;
	[tilespmem:$0x10080] =	vst v63  }
0xa1: {  	s2 =	rddreg [dreg:$0x15]  }
0xa2: {  	[tilespmem:s2], [sflag:$0x1] =	stream.indirect_vreg.gather [hbm4b:s4+s3], $0x80, v3, vm0, $0xb8;
	[tilespmem:$0x10080] =	vst v63  }
0xa3: {  	s31 =	rddreg [dreg:$0x16]  }
0xa4: {  	[tilespmem:s31], [sflag:$0x1] =	stream.indirect_vreg.gather [hbm4b:s5+s3], $0x80, v3, vm0, $0xb8;
	[tilespmem:$0x10080] =	vst v63  }
0xa5: {  	s2 =	rddreg [dreg:$0x17]  }
0xa6: {  	[tilespmem:s2], [sflag:$0x1] =	stream.indirect_vreg.gather [hbm4b:s6+s3], $0x80, v3, vm0, $0xb8;
	[tilespmem:$0x10080] =	vst v63  }
0xa7: {  	s31 =	rddreg [dreg:$0x18]  }
0xa8: {  	[tilespmem:s31], [sflag:$0x1] =	stream.indirect_vreg.gather [hbm4b:s7+s3], $0x80, v3, vm0, $0xb8;
	[tilespmem:$0x10080] =	vst v63  }
0xa9: {  	s2 =	rddreg [dreg:$0x19]  }
0xaa: {  	[tilespmem:s2], [sflag:$0x1] =	stream.indirect_vreg.gather [hbm4b:s8+s3], $0x80, v3, vm0, $0xb8;
	[tilespmem:$0x10080] =	vst v63  }
0xab: {  	s31 =	rddreg [dreg:$0x1a]  }
0xac: {  	[tilespmem:s31], [sflag:$0x1] =	stream.indirect_vreg.gather [hbm4b:s9+s3], $0x80, v3, vm0, $0xb8;
	[tilespmem:$0x10080] =	vst v63  }
0xad: {  	s2 =	rddreg [dreg:$0x1b]  }
0xae: {  	[tilespmem:s2], [sflag:$0x1] =	stream.indirect_vreg.gather [hbm4b:s10+s3], $0x80, v3, vm0, $0xb8;
	[tilespmem:$0x10080] =	vst v63  }
0xaf: {  	s31 =	rddreg [dreg:$0x1c]  }
0xb0: {  	[tilespmem:s31], [sflag:$0x1] =	stream.indirect_vreg.gather [hbm4b:s11+s3], $0x80, v3, vm0, $0xb8;
	[tilespmem:$0x10080] =	vst v63  }
0xb1: {  	s2 =	rddreg [dreg:$0x1d]  }
0xb2: {  	[tilespmem:s2], [sflag:$0x1] =	stream.indirect_vreg.gather [hbm4b:s12+s3], $0x80, v3, vm0, $0xb8;
	[tilespmem:$0x10080] =	vst v63  }
0xb3: {  	_ = 	snop  }
0xb4: {  	[tilespmem:s23], [sflag:$0x1] =	stream.indirect_vreg.gather [hbm4b:s13+s3], $0x80, v3, vm0, $0xb8;
	[tilespmem:$0x10080] =	vst v63  }
0xb5: {  	_ = 	snop  }
0xb6: {  	[tilespmem:s24], [sflag:$0x1] =	stream.indirect_vreg.gather [hbm4b:s14+s3], $0x80, v3, vm0, $0xb8;
	[tilespmem:$0x10080] =	vst v63  }
0xb7: {  	_ = 	snop  }
0xb8: {  	[tilespmem:s25], [sflag:$0x1] =	stream.indirect_vreg.gather [hbm4b:s15+s3], $0x80, v3, vm0, $0xb8;
	[tilespmem:$0x10080] =	vst v63  }
0xb9: {  	_ = 	snop  }
0xba: {  	[tilespmem:s26], [sflag:$0x1] =	stream.indirect_vreg.gather [hbm4b:s16+s3], $0x80, v3, vm0, $0xb8;
	[tilespmem:$0x10080] =	vst v63  }
0xbb: {  	_ = 	snop  }
0xbc: {  	[tilespmem:s28], [sflag:$0x1] =	stream.indirect_vreg.gather [hbm4b:s17+s3], $0x80, v3, vm0, $0xb8;
	[tilespmem:$0x10080] =	vst v63  }
0xbd: {  	_ = 	snop  }
0xbe: {  	[tilespmem:s29], [sflag:$0x1] =	stream.indirect_vreg.gather [hbm4b:s18+s3], $0x80, v3, vm0, $0xb8;
	[tilespmem:$0x10080] =	vst v63  }
0xbf: {  	p0 =	sne.s32 s19, $0x6;
	_ =	swait.ge [sflag:s30], $0x10000  }
.Ltmp0:
0xc0: {  	[sflag:s30] =	ssyncset.done $0x0;
	(pc) =	sbr.rel @p0 .LBB2_2-.Ltmp0, $4  }
0xc1: {  	s20 =	sadd.s32 $0x2000, s20;
	[sflag:s30] =	ssyncadd.s32 $0xFFFF0000  }
0xc2: {  	[hbm4b:s20+s3] =	stream.linear.scatter [tilespmem:s22], [sflag:$0x2], $0x10000, $0x38;
	[tilespmem:$0x10080] =	vst v63  }
0xc3: {  	_ =	swait.ge [sflag:s21], $0x10000  }
0xc4: {  	s19 =	sadd.s32 $0x2, s19;
	s2 =	rddreg [dreg:$0x4];
	[sflag:s21] =	ssyncset.done $0x0  }
0xc5: {  	[sflag:s21] =	ssyncadd.s32 $0xFFFF0000;
	s0 =	sadd.s32 s0, s2  }
0xc6: {  	[tilespmem:s3], [sflag:$0x2] =	stream.linear.gather [hbm4b:s0+s3], $0x10, $0x38;
	[tilespmem:$0x10080] =	vst v63  }
0xc7: {  	_ =	swait.ge [sflag:s21], $0x10  }
0xc8: {  	[sflag:s21] =	ssyncset.done $0x0  }
0xc9: {  	[sflag:s21] =	ssyncadd.s32 $0xFFFFFFF0  }
0xca: {  	v3 =	vld [tilespmem:$0x0];
	_ =	sdelay $0x4  }
0xcb: {  	v4 =	vshll.u32 v3, $0x5  }
0xcc: {  	v3 =	vand.u32 $0x7, v3;
	v4 =	vand.u32 $0xFFFFFF00, v4  }
0xcd: {  	v3 =	vor.u32 v3, v4  }
0xce: {  	v4 =	vperm.xlane v3, v0;
	_ =	sdelay $0x1  }
0xcf: {  	v4 =	vadd.s32 v1, v4;
	_ =	sdelay $0x4  }
0xd0: {  	[tilespmem:s22], [sflag:$0x1] =	stream.indirect_vreg.gather [hbm4b:s1+s3], $0x80, v4, vm0, $0xb8;
	[tilespmem:$0x10080] =	vst v63  }
0xd1: {  	s2 =	rddreg [dreg:$0x5]  }
0xd2: {  	[tilespmem:s2], [sflag:$0x1] =	stream.indirect_vreg.gather [hbm4b:s4+s3], $0x80, v4, vm0, $0xb8;
	[tilespmem:$0x10080] =	vst v63  }
0xd3: {  	s19 =	rddreg [dreg:$0x6]  }
0xd4: {  	[tilespmem:s19], [sflag:$0x1] =	stream.indirect_vreg.gather [hbm4b:s5+s3], $0x80, v4, vm0, $0xb8;
	[tilespmem:$0x10080] =	vst v63  }
0xd5: {  	s31 =	rddreg [dreg:$0x7]  }
0xd6: {  	[tilespmem:s31], [sflag:$0x1] =	stream.indirect_vreg.gather [hbm4b:s6+s3], $0x80, v4, vm0, $0xb8;
	[tilespmem:$0x10080] =	vst v63  }
0xd7: {  	s19 =	rddreg [dreg:$0x8]  }
0xd8: {  	[tilespmem:s19], [sflag:$0x1] =	stream.indirect_vreg.gather [hbm4b:s7+s3], $0x80, v4, vm0, $0xb8;
	[tilespmem:$0x10080] =	vst v63  }
0xd9: {  	s31 =	rddreg [dreg:$0x9]  }
0xda: {  	[tilespmem:s31], [sflag:$0x1] =	stream.indirect_vreg.gather [hbm4b:s8+s3], $0x80, v4, vm0, $0xb8;
	[tilespmem:$0x10080] =	vst v63  }
0xdb: {  	s19 =	rddreg [dreg:$0xa]  }
0xdc: {  	[tilespmem:s19], [sflag:$0x1] =	stream.indirect_vreg.gather [hbm4b:s9+s3], $0x80, v4, vm0, $0xb8;
	[tilespmem:$0x10080] =	vst v63  }
0xdd: {  	s31 =	rddreg [dreg:$0xb]  }
0xde: {  	[tilespmem:s31], [sflag:$0x1] =	stream.indirect_vreg.gather [hbm4b:s10+s3], $0x80, v4, vm0, $0xb8;
	[tilespmem:$0x10080] =	vst v63  }
0xdf: {  	s19 =	rddreg [dreg:$0xc]  }
0xe0: {  	[tilespmem:s19], [sflag:$0x1] =	stream.indirect_vreg.gather [hbm4b:s11+s3], $0x80, v4, vm0, $0xb8;
	[tilespmem:$0x10080] =	vst v63  }
0xe1: {  	s31 =	rddreg [dreg:$0xd]  }
0xe2: {  	[tilespmem:s31], [sflag:$0x1] =	stream.indirect_vreg.gather [hbm4b:s12+s3], $0x80, v4, vm0, $0xb8;
	[tilespmem:$0x10080] =	vst v63  }
0xe3: {  	s19 =	rddreg [dreg:$0xe]  }
0xe4: {  	[tilespmem:s19], [sflag:$0x1] =	stream.indirect_vreg.gather [hbm4b:s13+s3], $0x80, v4, vm0, $0xb8;
	[tilespmem:$0x10080] =	vst v63  }
0xe5: {  	s31 =	rddreg [dreg:$0xf]  }
0xe6: {  	[tilespmem:s31], [sflag:$0x1] =	stream.indirect_vreg.gather [hbm4b:s14+s3], $0x80, v4, vm0, $0xb8;
	[tilespmem:$0x10080] =	vst v63  }
0xe7: {  	s19 =	rddreg [dreg:$0x10]  }
0xe8: {  	[tilespmem:s19], [sflag:$0x1] =	stream.indirect_vreg.gather [hbm4b:s15+s3], $0x80, v4, vm0, $0xb8;
	[tilespmem:$0x10080] =	vst v63  }
0xe9: {  	v3 =	vperm.xlane v3, v2;
	s31 =	rddreg [dreg:$0x11]  }
0xea: {  	[tilespmem:s31], [sflag:$0x1] =	stream.indirect_vreg.gather [hbm4b:s16+s3], $0x80, v4, vm0, $0xb8;
	[tilespmem:$0x10080] =	vst v63  }
0xeb: {  	v3 =	vadd.s32 v1, v3;
	s19 =	rddreg [dreg:$0x12]  }
0xec: {  	[tilespmem:s19], [sflag:$0x1] =	stream.indirect_vreg.gather [hbm4b:s17+s3], $0x80, v4, vm0, $0xb8;
	[tilespmem:$0x10080] =	vst v63  }
0xed: {  	s31 =	rddreg [dreg:$0x13]  }
0xee: {  	[tilespmem:s31], [sflag:$0x1] =	stream.indirect_vreg.gather [hbm4b:s18+s3], $0x80, v4, vm0, $0xb8;
	[tilespmem:$0x10080] =	vst v63  }
0xef: {  	s19 =	rddreg [dreg:$0x14]  }
0xf0: {  	[tilespmem:s19], [sflag:$0x1] =	stream.indirect_vreg.gather [hbm4b:s1+s3], $0x80, v3, vm0, $0xb8;
	[tilespmem:$0x10080] =	vst v63  }
0xf1: {  	s31 =	rddreg [dreg:$0x15]  }
0xf2: {  	[tilespmem:s31], [sflag:$0x1] =	stream.indirect_vreg.gather [hbm4b:s4+s3], $0x80, v3, vm0, $0xb8;
	[tilespmem:$0x10080] =	vst v63  }
0xf3: {  	s19 =	rddreg [dreg:$0x16]  }
0xf4: {  	[tilespmem:s19], [sflag:$0x1] =	stream.indirect_vreg.gather [hbm4b:s5+s3], $0x80, v3, vm0, $0xb8;
	[tilespmem:$0x10080] =	vst v63  }
0xf5: {  	s31 =	rddreg [dreg:$0x17]  }
0xf6: {  	[tilespmem:s31], [sflag:$0x1] =	stream.indirect_vreg.gather [hbm4b:s6+s3], $0x80, v3, vm0, $0xb8;
	[tilespmem:$0x10080] =	vst v63  }
0xf7: {  	s19 =	rddreg [dreg:$0x18]  }
0xf8: {  	[tilespmem:s19], [sflag:$0x1] =	stream.indirect_vreg.gather [hbm4b:s7+s3], $0x80, v3, vm0, $0xb8;
	[tilespmem:$0x10080] =	vst v63  }
0xf9: {  	s31 =	rddreg [dreg:$0x19]  }
0xfa: {  	[tilespmem:s31], [sflag:$0x1] =	stream.indirect_vreg.gather [hbm4b:s8+s3], $0x80, v3, vm0, $0xb8;
	[tilespmem:$0x10080] =	vst v63  }
0xfb: {  	s19 =	rddreg [dreg:$0x1a]  }
0xfc: {  	[tilespmem:s19], [sflag:$0x1] =	stream.indirect_vreg.gather [hbm4b:s9+s3], $0x80, v3, vm0, $0xb8;
	[tilespmem:$0x10080] =	vst v63  }
0xfd: {  	s31 =	rddreg [dreg:$0x1b]  }
0xfe: {  	[tilespmem:s31], [sflag:$0x1] =	stream.indirect_vreg.gather [hbm4b:s10+s3], $0x80, v3, vm0, $0xb8;
	[tilespmem:$0x10080] =	vst v63  }
0xff: {  	s19 =	rddreg [dreg:$0x1c]  }
0x100: {  	[tilespmem:s19], [sflag:$0x1] =	stream.indirect_vreg.gather [hbm4b:s11+s3], $0x80, v3, vm0, $0xb8;
	[tilespmem:$0x10080] =	vst v63  }
0x101: {  	s31 =	rddreg [dreg:$0x1d]  }
0x102: {  	[tilespmem:s31], [sflag:$0x1] =	stream.indirect_vreg.gather [hbm4b:s12+s3], $0x80, v3, vm0, $0xb8;
	[tilespmem:$0x10080] =	vst v63  }
0x103: {  	_ = 	snop  }
0x104: {  	[tilespmem:s23], [sflag:$0x1] =	stream.indirect_vreg.gather [hbm4b:s13+s3], $0x80, v3, vm0, $0xb8;
	[tilespmem:$0x10080] =	vst v63  }
0x105: {  	_ = 	snop  }
0x106: {  	[tilespmem:s24], [sflag:$0x1] =	stream.indirect_vreg.gather [hbm4b:s14+s3], $0x80, v3, vm0, $0xb8;
	[tilespmem:$0x10080] =	vst v63  }
0x107: {  	_ = 	snop  }
0x108: {  	[tilespmem:s25], [sflag:$0x1] =	stream.indirect_vreg.gather [hbm4b:s15+s3], $0x80, v3, vm0, $0xb8;
	[tilespmem:$0x10080] =	vst v63  }
0x109: {  	_ = 	snop  }
0x10a: {  	[tilespmem:s26], [sflag:$0x1] =	stream.indirect_vreg.gather [hbm4b:s16+s3], $0x80, v3, vm0, $0xb8;
	[tilespmem:$0x10080] =	vst v63  }
0x10b: {  	_ = 	snop  }
0x10c: {  	[tilespmem:s28], [sflag:$0x1] =	stream.indirect_vreg.gather [hbm4b:s17+s3], $0x80, v3, vm0, $0xb8;
	[tilespmem:$0x10080] =	vst v63  }
0x10d: {  	_ = 	snop  }
0x10e: {  	[tilespmem:s29], [sflag:$0x1] =	stream.indirect_vreg.gather [hbm4b:s18+s3], $0x80, v3, vm0, $0xb8;
	[tilespmem:$0x10080] =	vst v63  }
0x10f: {  	_ =	swait.ge [sflag:s30], $0x10000  }
0x110: {  	[sflag:s30] =	ssyncset.done $0x0  }
0x111: {  	s19 =	sadd.s32 $0x2000, s20;
	[sflag:s30] =	ssyncadd.s32 $0xFFFF0000  }
0x112: {  	[hbm4b:s19+s3] =	stream.linear.scatter [tilespmem:s22], [sflag:$0x2], $0x10000, $0x38;
	[tilespmem:$0x10080] =	vst v63  }
0x113: {  	_ =	swait.ge [sflag:s21], $0x10000  }
0x114: {  	s20 =	sld [smem:$0x7FD];
	_ =	sdelay $0x2  }
0x115: {  	s31 =	rddreg [dreg:$0x1e];
	s2 =	sadd.s32 $0x1, s20  }
0x116: {  	p0 =	sne.s32 s2, s31  }
.Ltmp1:
0x117: {  	_ = 	snop;
	(pc) =	sbr.rel @p0 .LBB2_1-.Ltmp1, $3  }
0x118: {  	_ =	sdelay $0x1  }
0x119: {  	[sflag:s21] =	ssyncset.done $0x0  }
0x11a: {  	[sflag:s21] =	ssyncadd.s32 $0xFFFF0000  }
0x11b: {  	_ =	sfence.sel $0x180000  }
0x11c: {  	[bflag:$0x0] =	sbarrier.arrive $0xFFFF  }
0x11d: {  	_ =	strace $0x9000004A  }
0x11e: {  	s0 =	stileid.u32;
	[bflag:$0x2] =	sbarrier.arrive $0xFFFF  }
0x11f: {  	p0 =	sne.s32 s0, $0x0;
	s0 =	rddreg [dreg:$0x3]  }
0x120: {  	s0 =	sadd.s32 @!p0 $0x100000, s0  }
0x121: {  	[sflag:s0] =	ssyncadd.tile.s32 @!p0 $0x1;
	_ =	shalt  }
.Lfunc_end2:
_tile_overlayer_lowered:
.L_overlay_start_2:
0x122: {  	(tag) =	ssettag $0x2  }
0x123: {  	s0 =	rddreg [dreg:$0x0];
	s2 =	stileid.u32  }
0x124: {  	s1 =	rddreg [dreg:$0x1];
	p0 =	sne.s32 s2, $0x0  }
0x125: {  	s3 =	rddreg [dreg:$0x2];
	[bflag:$0x3] =	sbarrier.arrive $0xFFFF;
	s2 =	simm.s32 @!p0 $0x1C02  }
0x126: {  	[timem:s3], [sflag:s2] =	dma.local @!p0 [hbm:s0], s1  }
0x127: {  	s0 =	simm.s32 @!p0 $0x2  }
0x128: {  	_ =	swait.ge @!p0 [sflag:s0], s1  }
0x129: {  	s1 =	ssub.s32 @!p0 $0x0, s1;
	[sflag:s0] =	ssyncset.done @!p0 $0x0  }
0x12a: {  	[sflag:s0] =	ssyncadd.s32 @!p0 s1  }
0x12b: {  	[bflag:$0x3] =	sbarrier.arrive $0xFFFF  }
0x12c: {  	_ =	shalt  }

// kernel: kernel.16.cloned.1.call-start
scs
__scs_entry_jumppad:
0x0: {  	(pc) =	sbr.rel $0x88, $3  }
0x1: {  	(tag) =	ssettag $0x0;
	lr =	simm.s32 $0x1  }
0x2: {  	[smem:$0x3F9B] =	sst lr;
	_ =	strace $0xD0000000  }
0x3: {  	_ = 	snop  }
0x4: {  	_ = 	snop  }
0x5: {  	_ = 	snop  }
0x6: {  	_ = 	snop  }
0x7: {  	_ = 	snop  }
__scs_overlays_trampoline_lowered:
0x8: {  	[smem:$0x3FAA] =	sst s0  }
0x9: {  	[smem:$0x3FAB] =	sst s1  }
0xa: {  	[smem:$0x3FAC] =	sst s2  }
0xb: {  	[smem:$0x3FAD] =	sst s3  }
0xc: {  	[smem:$0x3FAE] =	sst s4  }
0xd: {  	[smem:$0x3FAF] =	sst s5  }
0xe: {  	[smem:$0x3FB0] =	sst s6  }
0xf: {  	[smem:$0x3FB1] =	sst s7  }
0x10: {  	[smem:$0x3FB2] =	sst s8  }
0x11: {  	[smem:$0x3FB3] =	sst s9;
	s0 =	simm.s32 @!p0 $0x0  }
0x12: {  	s1 =	sld [smem:$0x3F99];
	s0 =	simm.s32 @p0 $0x1  }
0x13: {  	[smem:$0x3FB4] =	sst s0;
	s0 =	simm.s32 @!p1 $0x0  }
0x14: {  	s2 =	sld [smem:$0x3F98];
	s0 =	simm.s32 @p1 $0x1  }
0x15: {  	[smem:$0x3FB5] =	sst s0;
	s0 =	simm.s32 @!p2 $0x0  }
0x16: {  	s3 =	sld [smem:$0x3FDB];
	s0 =	simm.s32 @p2 $0x1  }
0x17: {  	s4 =	simm.s32 $0x1BF5;
	[smem:$0x3FB7] =	sst s0  }
0x18: {  	s0 =	sld [smem:$0x3F9A];
	_ =	swait.ge [sflag:s4], $0x0  }
0x19: {  	s7 =	sld [smem:$0x3F9B]  }
0x1a: {  	s8 =	sadd.s32 $0xFFFFE003, lr  }
0x1b: {  	s9 =	sadd.s32 $0xFFFFFEF7, lr;
	s5 =	simm.s32 $0xFFFFFFFF;
	p2 =	slt.u32 s8, $0xFFFFF086  }
0x1c: {  	p1 =	slt.u32 s9, $0xF7A;
	s5 =	simm.s32 @!p2 $0x0  }
0x1d: {  	s5 =	simm.s32 @p1 $0x1;
	p0 =	seq.s32 s7, s2  }
0x1e: {  	s7 =	smul.u32 @!p0 $0xF7A, s2;
	p2 =	seq.s32 @!p0 s5, $0x0  }
0x1f: {  	s9 =	smul.u32 $0xF7A, s1;
	s8 =	simm.s32 @!p0 $0x1BF5;
	p2 =	por !p2, p0  }
0x20: {  	[sflag:s8] =	ssyncset.s32 @!p0 $0xFFFFF086;
	s6 =	sadd.s32 @!p0 s3, s7;
	s7 =	simm.s32 @!p0 $0x108  }
0x21: {  	s3 =	sadd.s32 s3, s9;
	s6 =	sadd.s32 @!p0 $0x88, s6;
	s7 =	simm.s32 @p2 $0x1082  }
0x22: {  	[simem:s7], [sflag:s8] =	dma.local @!p0 [hbm:s6], $0xF7A  }
0x23: {  	s9 =	sor.u32 $0xD0000000, s2;
	s6 =	simm.s32 $0x108;
	_ =	swait.ge @!p0 [sflag:s8], $0x0  }
0x24: {  	s3 =	sadd.s32 $0x88, s3;
	s6 =	simm.s32 @!p1 $0x1082;
	[sflag:s4] =	ssyncset.s32 $0xFFFFF086  }
0x25: {  	[simem:s6], [sflag:s4] =	dma.local [hbm:s3], $0xF7A  }
0x26: {  	[smem:$0x3F9B] =	sst s1;
	(tag) =	ssettag s2;
	_ =	strace s9  }
0x27: {  	s1 =	sld [smem:$0x3FAB]  }
0x28: {  	s2 =	sld [smem:$0x3FAC]  }
0x29: {  	s4 =	sld [smem:$0x3FAE]  }
0x2a: {  	p0 =	seq.s32 s5, $0x0;
	s5 =	sld [smem:$0x3FAF]  }
0x2b: {  	s6 =	sld [smem:$0x3FB0]  }
0x2c: {  	s7 =	sld [smem:$0x3FB1]  }
0x2d: {  	s3 =	simm.s32 $0x108;
	s8 =	sld [smem:$0x3FB2]  }
0x2e: {  	s3 =	simm.s32 @!p0 $0x1082;
	s9 =	sld [smem:$0x3FB3]  }
0x2f: {  	lr =	sadd.s32 s0, s3;
	s0 =	sld [smem:$0x3FAA]  }
0x30: {  	s3 =	sld [smem:$0x3FAD]  }
0x31: {  	[smem:$0x3FB6] =	sst s10  }
0x32: {  	s10 =	sld [smem:$0x3FB4];
	_ =	sdelay $0x3  }
0x33: {  	p0 =	seq.s32 s10, $0x1;
	s10 =	sld [smem:$0x3FB6];
	_ =	sdelay $0x3  }
0x34: {  	[smem:$0x3FB6] =	sst s10  }
0x35: {  	s10 =	sld [smem:$0x3FB5];
	_ =	sdelay $0x3  }
0x36: {  	p1 =	seq.s32 s10, $0x1;
	s10 =	sld [smem:$0x3FB6];
	_ =	sdelay $0x3  }
0x37: {  	[smem:$0x3FB6] =	sst s10  }
0x38: {  	s10 =	sld [smem:$0x3FB7]  }
0x39: {  	_ = 	snop;
	(pc) =	sbr.ind lr, $3  }
0x3a: {  	_ = 	snop  }
0x3b: {  	_ = 	snop  }
0x3c: {  	p2 =	seq.s32 s10, $0x1;
	s10 =	sld [smem:$0x3FB6]  }
0x3d: {  	_ =	shalt  }
0x3e: {  	_ =	shalt  }
0x3f: {  	_ =	shalt  }
0x40: {  	_ =	shalt  }
0x41: {  	_ =	shalt  }
0x42: {  	_ =	shalt  }
0x43: {  	_ =	shalt  }
0x44: {  	_ =	shalt  }
0x45: {  	_ =	shalt  }
0x46: {  	_ =	shalt  }
0x47: {  	_ =	shalt  }
0x48: {  	_ =	shalt  }
0x49: {  	_ =	shalt  }
0x4a: {  	_ =	shalt  }
0x4b: {  	_ =	shalt  }
0x4c: {  	_ =	shalt  }
0x4d: {  	_ =	shalt  }
0x4e: {  	_ =	shalt  }
0x4f: {  	_ =	shalt  }
0x50: {  	_ =	shalt  }
0x51: {  	_ =	shalt  }
0x52: {  	_ =	shalt  }
0x53: {  	_ =	shalt  }
0x54: {  	_ =	shalt  }
0x55: {  	_ =	shalt  }
0x56: {  	_ =	shalt  }
0x57: {  	_ =	shalt  }
0x58: {  	_ =	shalt  }
0x59: {  	_ =	shalt  }
0x5a: {  	_ =	shalt  }
0x5b: {  	_ =	shalt  }
0x5c: {  	_ =	shalt  }
0x5d: {  	_ =	shalt  }
0x5e: {  	_ =	shalt  }
0x5f: {  	_ =	shalt  }
0x60: {  	_ =	shalt  }
0x61: {  	_ =	shalt  }
0x62: {  	_ =	shalt  }
0x63: {  	_ =	shalt  }
0x64: {  	_ =	shalt  }
0x65: {  	_ =	shalt  }
0x66: {  	_ =	shalt  }
0x67: {  	_ =	shalt  }
0x68: {  	_ =	shalt  }
0x69: {  	_ =	shalt  }
0x6a: {  	_ =	shalt  }
0x6b: {  	_ =	shalt  }
0x6c: {  	_ =	shalt  }
0x6d: {  	_ =	shalt  }
0x6e: {  	_ =	shalt  }
0x6f: {  	_ =	shalt  }
0x70: {  	_ =	shalt  }
0x71: {  	_ =	shalt  }
0x72: {  	_ =	shalt  }
0x73: {  	_ =	shalt  }
0x74: {  	_ =	shalt  }
0x75: {  	_ =	shalt  }
0x76: {  	_ =	shalt  }
0x77: {  	_ =	shalt  }
0x78: {  	_ =	shalt  }
0x79: {  	_ =	shalt  }
0x7a: {  	_ =	shalt  }
0x7b: {  	_ =	shalt  }
0x7c: {  	_ =	shalt  }
0x7d: {  	_ =	shalt  }
0x7e: {  	_ =	shalt  }
0x7f: {  	_ =	shalt  }
0x80: {  	_ =	shalt  }
0x81: {  	_ =	shalt  }
0x82: {  	_ =	shalt  }
0x83: {  	_ =	shalt  }
0x84: {  	_ =	shalt  }
0x85: {  	_ =	shalt  }
0x86: {  	_ =	shalt  }
0x87: {  	_ =	shalt  }
.Lfunc_end0:
.L_simem_size_0:
called_computation.2_lowered:
.L_overlay_start_0:
0x88: {  	s2 =	sld [smem:$0x3FD9]  }
0x89: {  	s3 =	sld [smem:$0x3FFE];
	_ =	sdelay $0x1  }
0x8a: {  	s1 =	srdreg.scid  }
0x8b: {  	s0 =	sand.u32 $0x1, s1  }
0x8c: {  	s16 =	sshll.u32 s0, $0xA;
	s2 =	sadd.s32 s3, s2  }
0x8d: {  	s2 =	sadd.s32 s2, s16  }
0x8e: {  	[smem:$0x3FC2] =	sst s2  }
0x8f: {  	_ = 	snop  }
0x90: {  	s17 =	sld [smem:$0x3FD0];
	_ =	sdelay $0x2  }
0x91: {  	s5 =	simm.s32 $0xB;
	s4 =	simm.s32 $0x10;
	s2 =	sld [smem:$0x3FC8]  }
0x92: {  	[smem:s4], [sflag:s5] =	dma.local [hbm:s17], $0x1  }
0x93: {  	_ =	swait.eq [sflag:s5], $0x1  }
0x94: {  	[sflag:s5] =	ssyncset.done $0x0  }
0x95: {  	s18 =	sld [smem:$0x11];
	[sflag:s5] =	ssyncadd.s32 $0xFFFFFFFF  }
0x96: {  	s19 =	sld [smem:$0x12];
	(tm) =	ssettm $0x1  }
0x97: {  	s20 =	sld [smem:$0x3FFB];
	_ =	sdelay $0x3  }
0x98: {  	_ =	strace s20  }
0x99: {  	s3 =	sld [smem:$0x3FFC];
	_ =	sdelay $0x3  }
0x9a: {  	_ =	strace s3  }
0x9b: {  	s3 =	sld [smem:$0x3FFD];
	_ =	sdelay $0x3  }
0x9c: {  	_ =	strace s3  }
0x9d: {  	_ =	strace $0x8FFFFFFF  }
0x9e: {  	s21 =	sld [smem:$0x3FDB];
	_ =	sdelay $0x1  }
0x9f: {  	s6 =	simm.s32 $_scs_section_size  }
0xa0: {  	s7 =	simm.s32 $_size__tile_overlayer_lowered;
	s8 =	simm.s32 $_tile_overlayer_lowered  }
0xa1: {  	s9 =	simm.s32 $0x1BFF;
	s22 =	sshll.u32 s8, $0x1;
	s6 =	sadd.s32 s6, s21  }
0xa2: {  	s23 =	simm.s32 $0x0;
	s7 =	sshll.u32 s7, $0x1;
	s8 =	sadd.s32 s22, s6  }
0xa3: {  	[timem:s23], [sflag:s9] =	dma.local [hbm:s8], s7  }
0xa4: {  	_ =	swait.ge [sflag:s9], s7  }
0xa5: {  	s7 =	ssub.s32 $0x0, s7;
	[sflag:s9] =	ssyncset.done $0x0  }
0xa6: {  	[sflag:s9] =	ssyncadd.s32 s7;
	_ =	sdelay $0x1  }
0xa7: {  	s24 =	simm.s32 $0x1B8B  }
0xa8: {  	_ =	swait.ge [sflag:s24], $0x1  }
0xa9: {  	[sflag:s24] =	ssyncset.done $0x0  }
0xaa: {  	[sflag:s24] =	ssyncadd.s32 $0xFFFFFFFF  }
0xab: {  	s7 =	sld [smem:$0x0]  }
0xac: {  	s8 =	sand.u32 $0xFFFFFFFE, s1  }
0xad: {  	p0 =	sne.s32 s1, s8  }
0xae: {  	s8 =	sshll.u32 @p0 s8, $0xE  }
0xaf: {  	s8 =	sadd.s32 @p0 $0x11B8D, s8;
	s9 =	sshll.u32 @p0 s7, $0x11  }
0xb0: {  	s8 =	sor.u32 @p0 s9, s8  }
0xb1: {  	[sflag:s8] =	ssyncadd.remote.s32 @p0 $0x1;
	_ =	sdelay $0x1  }
0xb2: {  	s8 =	simm.s32 @p0 $0x1B8D  }
0xb3: {  	_ =	swait.eq @p0 [sflag:s8], $0x1  }
0xb4: {  	[sflag:s8] =	ssyncadd.s32 @p0 $0xFFFFFFFF  }
0xb5: {  	s9 =	sshll.u32 @!p0 s1, $0xE  }
0xb6: {  	s9 =	sor.u32 @!p0 $0x4000, s9;
	s8 =	simm.s32 @!p0 $0x1B8D  }
0xb7: {  	s7 =	sshll.u32 @!p0 s7, $0x11;
	s9 =	sadd.s32 @!p0 $0x11B8D, s9;
	_ =	swait.eq @!p0 [sflag:s8], $0x1  }
0xb8: {  	s7 =	sor.u32 @!p0 s7, s9;
	[sflag:s8] =	ssyncadd.s32 @!p0 $0xFFFFFFFF  }
0xb9: {  	s25 =	simm.s32 $0x1B8E;
	[sflag:s7] =	ssyncadd.remote.s32 @!p0 $0x1  }
0xba: {  	s26 =	simm.s32 $execute0_lowered;
	[smem:$0x3FD2] =	sst s25  }
0xbb: {  	s7 =	sshll.u32 s26, $0x1;
	_ =	strace $0x8000004C;
	[dreg:$0x1] =	wrdreg $0xFFFFFFFF  }
0xbc: {  	s28 =	simm.s32 $_size_execute0_lowered;
	s6 =	sadd.s32 s6, s7;
	[dreg:$0x0] =	wrdreg $0x0  }
0xbd: {  	s7 =	sshll.u32 s28, $0x1;
	[dreg:$0x2] =	wrdreg s6  }
0xbe: {  	[dreg:$0x3] =	wrdreg s7  }
0xbf: {  	[dreg:$0x4] =	wrdreg $0xC0  }
0xc0: {  	_ =	task [dreg:s23], $0x5FFFF  }
0xc1: {  	[dreg:$0x1] =	wrdreg $0xFFFFFFFF  }
0xc2: {  	[dreg:$0x0] =	wrdreg $0x60  }
0xc3: {  	[dreg:$0x2] =	wrdreg s2  }
0xc4: {  	[dreg:$0x3] =	wrdreg s19  }
0xc5: {  	[dreg:$0x4] =	wrdreg s18  }
0xc6: {  	[dreg:$0x5] =	wrdreg $0xA  }
0xc7: {  	_ =	task.clear_ibuf [dreg:s23], $0x6FFFF;
	_ =	strace $0x9000004C  }
0xc8: {  	s29 =	simm.s32 $0xA;
	_ =	strace $0x8000004E  }
0xc9: {  	_ =	swait.ge [sflag:s29], $0x1  }
0xca: {  	[sflag:s29] =	ssyncadd.s32 $0xFFFFFFFF  }
0xcb: {  	_ =	strace $0x9000004E  }
0xcc: {  	_ =	sfence  }
0xcd: {  	s30 =	sld [smem:$0x0];
	_ =	sdelay $0x2  }
0xce: {  	s31 =	sshll.u32 s1, $0xD;
	s1 =	sshrl.u32 s1, $0x2  }
0xcf: {  	s4 =	sand.u32 $0x4000, s31;
	s1 =	sadd.s32 s1, s30  }
0xd0: {  	s0 =	sor.u32 s4, s0;
	s1 =	sshll.u32 s1, $0x11  }
0xd1: {  	s0 =	sor.u32 s1, s0  }
0xd2: {  	s0 =	sadd.s32 $0x8F2B, s0  }
0xd3: {  	[sflag:s0] =	ssyncadd.remote.s32 $0x1  }
0xd4: {  	_ =	sfence.sel $0xFFFF  }
0xd5: {  	[dreg:$0x0] =	wrdreg $0xFFFFFFFF;
	(pc) =	sbr.abs _section_cstart, $3  }
0xd6: {  	[dreg:$0x1] =	wrdreg $0xFFFFFFFF  }
0xd7: {  	_ =	task.clear_ibuf [dreg:s23], $0x2FFFF;
	_ =	strace $0x9FFFFFFF  }
0xd8: {  	(tm) =	ssettm $0x7FFFFFFF  }
0xd9: {  	_ =	shalt  }
tec
execute0_lowered:
.L_overlay_start_1:
0x0: {  	(tag) =	ssettag $0x1  }
0x1: {  	s1 =	rddreg [dreg:$0x0]  }
0x2: {  	s4 =	rddreg [dreg:$0x1]  }
0x3: {  	s5 =	rddreg [dreg:$0x2];
	s3 =	srdreg.scid  }
0x4: {  	s0 =	rddreg [dreg:$0x3];
	s2 =	stileid.u32;
	s10 =	simm.s32 $0x1080  }
0x5: {  	s11 =	simm.s32 $0x1880;
	s12 =	simm.s32 $0x2080;
	s13 =	simm.s32 $0x2880  }
0x6: {  	s14 =	simm.s32 $0x3080;
	s15 =	simm.s32 $0x3880;
	s16 =	simm.s32 $0x1  }
0x7: {  	s6 =	sand.u32 $0x1, s3;
	s3 =	simm.s32 $0x0;
	s7 =	sshll.u32 s2, $0x7  }
0x8: {  	s8 =	sshll.u32 s6, $0x6;
	[smem:$0x7FF] =	sst s3;
	s6 =	ssub.s32 $0x2, s6  }
0x9: {  	s7 =	sor.u32 s8, s7;
	_ =	strace $0x8000004D;
	s31 =	sshrl.u32 s6, $0x1  }
0xa: {  	v2 =	vlaneseq.u32;
	s8 =	simm.s32 $0x80;
	s9 =	sshrl.u32 s7, $0x3;
	s7 =	sshll.u32 s7, $0x5  }
0xb: {  	vm0 =	vmmov $0xffff;
	v1 =	vshrl.u32 v2, $0x3;
	s6 =	ssub.s32 s6, s31;
	s4 =	sadd.s32 s4, s9;
	s5 =	sadd.s32 s5, s7  }
0xc: {  	v0 =	vand.u32 $0x7, v2;
	v2 =	vor.u32 $0x8, v2;
	v1 =	vmul.u32 $0x8, v1;
	s6 =	smax.u32 s6, $0x1;
	s7 =	simm.s32 $0x2;
	s9 =	simm.s32 $0x880  }
.LBB2_1:
0xd: {  	[tilespmem:s3], [sflag:$0x2] =	stream.linear.gather [hbm4b:s4+s3], $0x40, $0x38;
	[tilespmem:$0x4080] =	vst v63  }
0xe: {  	_ =	swait.ge [sflag:s7], $0x40  }
0xf: {  	[sflag:s7] =	ssyncset.done $0x0  }
0x10: {  	[sflag:s7] =	ssyncadd.s32 $0xFFFFFFC0  }
0x11: {  	v3 =	vld [tilespmem:$0x0];
	_ =	sdelay $0x4  }
0x12: {  	v4 =	vshll.u32 v3, $0x1  }
0x13: {  	v3 =	vand.u32 $0x7, v3;
	v4 =	vand.u32 $0xFFFFFFF0, v4  }
0x14: {  	v3 =	vor.u32 v3, v4  }
0x15: {  	v4 =	vperm.xlane v3, v0;
	_ =	sdelay $0x1  }
0x16: {  	v3 =	vperm.xlane v3, v2;
	v4 =	vadd.s32 v1, v4;
	_ =	sdelay $0x1  }
0x17: {  	v3 =	vadd.s32 v1, v3;
	_ =	sdelay $0x2  }
0x18: {  	[tilespmem:s8], [sflag:$0x1] =	stream.indirect_vreg.gather [hbm4b:s1+s3], $0x80, v4, vm0, $0xb8;
	[tilespmem:$0x4080] =	vst v63  }
0x19: {  	_ = 	snop  }
0x1a: {  	[tilespmem:s9], [sflag:$0x1] =	stream.indirect_vreg.gather [hbm4b:s1+s3], $0x80, v3, vm0, $0xb8;
	[tilespmem:$0x4080] =	vst v63  }
0x1b: {  	v3 =	vld [tilespmem:$0x10];
	_ =	sdelay $0x4  }
0x1c: {  	v61 =	vshll.u32 v3, $0x1  }
0x1d: {  	v3 =	vand.u32 $0x7, v3;
	v4 =	vand.u32 $0xFFFFFFF0, v61  }
0x1e: {  	v3 =	vor.u32 v3, v4  }
0x1f: {  	v4 =	vperm.xlane v3, v0;
	_ =	sdelay $0x1  }
0x20: {  	v3 =	vperm.xlane v3, v2;
	v4 =	vadd.s32 v1, v4;
	_ =	sdelay $0x1  }
0x21: {  	v3 =	vadd.s32 v1, v3;
	_ =	sdelay $0x2  }
0x22: {  	[tilespmem:s10], [sflag:$0x1] =	stream.indirect_vreg.gather [hbm4b:s1+s3], $0x80, v4, vm0, $0xb8;
	[tilespmem:$0x4080] =	vst v63  }
0x23: {  	_ = 	snop  }
0x24: {  	[tilespmem:s11], [sflag:$0x1] =	stream.indirect_vreg.gather [hbm4b:s1+s3], $0x80, v3, vm0, $0xb8;
	[tilespmem:$0x4080] =	vst v63  }
0x25: {  	v3 =	vld [tilespmem:$0x20];
	_ =	sdelay $0x4  }
0x26: {  	v62 =	vshll.u32 v3, $0x1  }
0x27: {  	v3 =	vand.u32 $0x7, v3;
	v4 =	vand.u32 $0xFFFFFFF0, v62  }
0x28: {  	v3 =	vor.u32 v3, v4  }
0x29: {  	v4 =	vperm.xlane v3, v0;
	_ =	sdelay $0x1  }
0x2a: {  	v3 =	vperm.xlane v3, v2;
	v4 =	vadd.s32 v1, v4;
	_ =	sdelay $0x1  }
0x2b: {  	v3 =	vadd.s32 v1, v3;
	_ =	sdelay $0x2  }
0x2c: {  	[tilespmem:s12], [sflag:$0x1] =	stream.indirect_vreg.gather [hbm4b:s1+s3], $0x80, v4, vm0, $0xb8;
	[tilespmem:$0x4080] =	vst v63  }
0x2d: {  	_ = 	snop  }
0x2e: {  	[tilespmem:s13], [sflag:$0x1] =	stream.indirect_vreg.gather [hbm4b:s1+s3], $0x80, v3, vm0, $0xb8;
	[tilespmem:$0x4080] =	vst v63  }
0x2f: {  	v3 =	vld [tilespmem:$0x30];
	_ =	sdelay $0x4  }
0x30: {  	v63 =	vshll.u32 v3, $0x1  }
0x31: {  	v3 =	vand.u32 $0x7, v3;
	v4 =	vand.u32 $0xFFFFFFF0, v63  }
0x32: {  	v3 =	vor.u32 v3, v4  }
0x33: {  	v4 =	vperm.xlane v3, v0;
	_ =	sdelay $0x1  }
0x34: {  	v3 =	vperm.xlane v3, v2;
	v4 =	vadd.s32 v1, v4;
	_ =	sdelay $0x1  }
0x35: {  	v3 =	vadd.s32 v1, v3;
	_ =	sdelay $0x2  }
0x36: {  	[tilespmem:s14], [sflag:$0x1] =	stream.indirect_vreg.gather [hbm4b:s1+s3], $0x80, v4, vm0, $0xb8;
	[tilespmem:$0x4080] =	vst v63  }
0x37: {  	_ = 	snop  }
0x38: {  	[tilespmem:s15], [sflag:$0x1] =	stream.indirect_vreg.gather [hbm4b:s1+s3], $0x80, v3, vm0, $0xb8;
	[tilespmem:$0x4080] =	vst v63  }
0x39: {  	_ =	swait.ge [sflag:s16], $0x4000  }
0x3a: {  	p0 =	sne.s32 s6, $0x1;
	[sflag:s16] =	ssyncset.done $0x0  }
.Ltmp0:
0x3b: {  	[sflag:s16] =	ssyncadd.s32 $0xFFFFC000;
	(pc) =	sbr.rel @p0 .LBB2_1-.Ltmp0, $4  }
0x3c: {  	[hbm4b:s5+s3] =	stream.linear.scatter [tilespmem:s8], [sflag:$0x2], $0x4000, $0x38;
	[tilespmem:$0x4080] =	vst v63  }
0x3d: {  	_ =	swait.ge [sflag:s7], $0x4000  }
0x3e: {  	[sflag:s7] =	ssyncset.done $0x0  }
0x3f: {  	s6 =	sadd.s32 $0xFFFFFFFF, s6;
	[sflag:s7] =	ssyncadd.s32 $0xFFFFC000  }
0x40: {  	_ =	sfence.sel $0x180000  }
0x41: {  	[bflag:$0x0] =	sbarrier.arrive $0xFFFF  }
0x42: {  	p0 =	sne.s32 s2, $0x0;
	_ =	strace $0x9000004D  }
0x43: {  	s0 =	sadd.s32 @!p0 $0x100000, s0;
	[bflag:$0x2] =	sbarrier.arrive $0xFFFF  }
0x44: {  	[sflag:s0] =	ssyncadd.tile.s32 @!p0 $0x1;
	_ =	shalt  }
.Lfunc_end2:
_tile_overlayer_lowered:
.L_overlay_start_2:
0x45: {  	(tag) =	ssettag $0x2  }
0x46: {  	s0 =	rddreg [dreg:$0x0];
	s2 =	stileid.u32  }
0x47: {  	s1 =	rddreg [dreg:$0x1];
	p0 =	sne.s32 s2, $0x0  }
0x48: {  	s3 =	rddreg [dreg:$0x2];
	[bflag:$0x3] =	sbarrier.arrive $0xFFFF;
	s2 =	simm.s32 @!p0 $0x1C02  }
0x49: {  	[timem:s3], [sflag:s2] =	dma.local @!p0 [hbm:s0], s1  }
0x4a: {  	s0 =	simm.s32 @!p0 $0x2  }
0x4b: {  	_ =	swait.ge @!p0 [sflag:s0], s1  }
0x4c: {  	s1 =	ssub.s32 @!p0 $0x0, s1;
	[sflag:s0] =	ssyncset.done @!p0 $0x0  }
0x4d: {  	[sflag:s0] =	ssyncadd.s32 @!p0 s1  }
0x4e: {  	[bflag:$0x3] =	sbarrier.arrive $0xFFFF  }
0x4f: {  	_ =	shalt  }

</sc_bundles>
